<compile_context>
chip_gen: v7x
topology: tpu7x:2x2x1
jax: 0.10.2.dev20260603
libtpu: 0.0.44.dev20260713+nightly
codegen_flags: <defaults>
</compile_context>

<pallas_src>
import functools

import jax
import jax.numpy as jnp
from jax import lax
from jax.experimental import pallas as pl
from jax.experimental.pallas import tpu as pltpu
from jax.experimental.pallas import tpu_sc as plsc

NC = 2
NS = 16


def _chunk_size(per_tile, max_c=128, mult=1):
    for c in range(max_c, 0, -1):
        if c % mult == 0 and per_tile % c == 0:
            return c
    return 1


def _sc_degree(dst3, zeros1, n_acc, nvec):
    mesh = plsc.VectorSubcoreMesh(core_axis_name="c", subcore_axis_name="s")

    @functools.partial(
        pl.kernel,
        out_type=jax.ShapeDtypeStruct((NC * NS * n_acc,), jnp.float32),
        mesh=mesh,
        compiler_params=pltpu.CompilerParams(needs_layout_passes=False),
        scratch_types=[
            pltpu.VMEM((nvec, 16), jnp.int32),
            pltpu.VMEM((n_acc,), jnp.float32),
        ],
    )
    def deg_kernel(dst_hbm, zero_hbm, out_hbm, dstv, countv):
        c = lax.axis_index("c")
        s = lax.axis_index("s")
        t = c * NS + s
        pltpu.sync_copy(zero_hbm, countv)
        pltpu.sync_copy(dst_hbm.at[t], dstv)

        ones = jnp.ones((16,), jnp.float32)

        def body(k, carry):
            idx = dstv[k, :]
            plsc.addupdate_scatter(countv, [idx], ones)
            return carry

        lax.fori_loop(0, nvec, body, 0)
        pltpu.sync_copy(countv, out_hbm.at[pl.ds(t * n_acc, n_acc)])

    return deg_kernel(dst3, zeros1)


def _sc_scatter(g0, g1, src3, dst3, zeros_tail, n, n_real, rpt, ch_mp, chunk,
                half):
    mesh = plsc.VectorSubcoreMesh(core_axis_name="c", subcore_axis_name="s")

    per_tile = ch_mp * chunk

    @functools.partial(
        pl.kernel,
        out_type=jax.ShapeDtypeStruct((NC, n, half), jnp.float32),
        mesh=mesh,
        scratch_types=[
            pltpu.VMEM((per_tile,), jnp.int32),
            pltpu.VMEM((ch_mp, chunk), jnp.int32),
            pltpu.VMEM((2, chunk, half), jnp.float32),
            pltpu.VMEM_SHARED((n, half), jnp.float32),
            pltpu.SemaphoreType.DMA,
            pltpu.SemaphoreType.DMA,
            pltpu.SemaphoreType.DMA,
            pltpu.SemaphoreType.DMA,
        ],
    )
    def mp_kernel(g0_hbm, g1_hbm, src_hbm, dst_hbm, zero_hbm, agg_hbm,
                  srcv, dstv, rowsv, acc, semg0, semg1, sems0, sems1):
        c = lax.axis_index("c")
        s = lax.axis_index("s")
        r0 = s * rpt
        pltpu.sync_copy(src_hbm.at[s], srcv)
        pltpu.sync_copy(dst_hbm.at[s], dstv)

        def init(g_tab):
            if n_real == n:
                pltpu.sync_copy(g_tab.at[pl.ds(r0, rpt)],
                                acc.at[pl.ds(r0, rpt)])
            else:
                @pl.when(s < NS - 1)
                def _():
                    pltpu.sync_copy(g_tab.at[pl.ds(r0, rpt)],
                                    acc.at[pl.ds(r0, rpt)])

                @pl.when(s == NS - 1)
                def _():
                    last0 = (NS - 1) * rpt
                    lf = n_real - last0
                    pltpu.sync_copy(g_tab.at[pl.ds(last0, lf)],
                                    acc.at[pl.ds(last0, lf)])
                    pltpu.sync_copy(zero_hbm,
                                    acc.at[pl.ds(n_real, n - n_real)])

        def run(g_tab):
            init(g_tab)
            plsc.subcore_barrier()
            semg = (semg0, semg1)

            def src_slice(j):
                off = pl.multiple_of(j * chunk, chunk)
                return srcv.at[pl.ds(off, chunk)]

            def step(j, buf):
                pltpu.make_async_copy(g_tab.at[src_slice(j)], rowsv.at[buf],
                                      semg[buf]).wait()
                pltpu.sync_copy(rowsv.at[buf], acc.at[dstv.at[j]], add=True)

                @pl.when(j + 2 < ch_mp)
                def _():
                    pltpu.async_copy(g_tab.at[src_slice(j + 2)],
                                     rowsv.at[buf], semg[buf])

            pltpu.async_copy(g_tab.at[src_slice(0)], rowsv.at[0], semg0)
            pltpu.async_copy(g_tab.at[src_slice(1)], rowsv.at[1], semg1)

            def body(j, carry):
                @pl.when(j % 2 == 0)
                def _():
                    step(j, 0)

                @pl.when(j % 2 == 1)
                def _():
                    step(j, 1)

                return carry

            lax.fori_loop(0, ch_mp, body, 0)

        @pl.when(c == 0)
        def _():
            run(g0_hbm)

        @pl.when(c == 1)
        def _():
            run(g1_hbm)

        plsc.subcore_barrier()
        pltpu.sync_copy(acc.at[pl.ds(r0, rpt)], agg_hbm.at[c, pl.ds(r0, rpt)])

    return mp_kernel(g0, g1, src3, dst3, zeros_tail)


def _tc_matmul(x, W, degp, bm):
    n, d_in = x.shape
    d_out = W.shape[1]
    half = d_out // 2

    def mm_body(x_ref, w_ref, d_ref, g0_ref, g1_ref):
        deg = 1.0 + jnp.sum(d_ref[...], axis=1)
        dinv = lax.rsqrt(deg)[:, None]
        h = jnp.dot(x_ref[...], w_ref[...], preferred_element_type=jnp.float32)
        g = h * dinv
        g0_ref[...] = g[:, :half]
        g1_ref[...] = g[:, half:]

    return pl.pallas_call(
        mm_body,
        grid=(n // bm,),
        in_specs=[
            pl.BlockSpec((bm, d_in), lambda m: (m, 0)),
            pl.BlockSpec((d_in, d_out), lambda m: (0, 0)),
            pl.BlockSpec((bm, NC * NS), lambda m: (m, 0)),
        ],
        out_specs=[
            pl.BlockSpec((bm, half), lambda m: (m, 0)),
            pl.BlockSpec((bm, half), lambda m: (m, 0)),
        ],
        out_shape=[
            jax.ShapeDtypeStruct((n, half), jnp.float32),
            jax.ShapeDtypeStruct((n, half), jnp.float32),
        ],
    )(x, W, degp)


def _tc_final(a0, a1, degp, b2, pw2, bm):
    n, half = a0.shape
    d_out = 2 * half

    def fin_body(a0_ref, a1_ref, d_ref, b_ref, pw_ref, o_ref):
        deg = 1.0 + jnp.sum(d_ref[...], axis=1)
        dinv = lax.rsqrt(deg)[:, None]
        agg = jnp.concatenate([a0_ref[...], a1_ref[...]], axis=1)
        v = dinv * agg + b_ref[...]
        pw = pw_ref[0, 0]
        o_ref[...] = jnp.where(v >= 0, v, pw * v)

    return pl.pallas_call(
        fin_body,
        grid=(n // bm,),
        in_specs=[
            pl.BlockSpec((bm, half), lambda m: (m, 0)),
            pl.BlockSpec((bm, half), lambda m: (m, 0)),
            pl.BlockSpec((bm, NC * NS), lambda m: (m, 0)),
            pl.BlockSpec((1, d_out), lambda m: (0, 0)),
            pl.BlockSpec(memory_space=pltpu.SMEM),
        ],
        out_specs=pl.BlockSpec((bm, d_out), lambda m: (m, 0)),
        out_shape=jax.ShapeDtypeStruct((n, d_out), jnp.float32),
    )(a0, a1, degp, b2, pw2)


def kernel(x, edge_index, W, b, prelu_w):
    n, d_in = x.shape
    d_out = W.shape[1]
    e = edge_index.shape[1]
    half = d_out // 2

    chunk_mp = _chunk_size(e // NS, max_c=128, mult=8)
    ch_mp = e // (NS * chunk_mp)
    rpt = ((n + NS * 8 - 1) // (NS * 8)) * 8
    n_acc = rpt * NS

    unit = NC * NS * 16
    e_pad = ((e + unit - 1) // unit) * unit
    nvec = e_pad // unit

    src = edge_index[0]
    dst = edge_index[1]
    src_mp = src.reshape(NS, ch_mp * chunk_mp)
    dst_mp = dst.reshape(NS, ch_mp, chunk_mp)
    dst_deg = jnp.concatenate(
        [dst, jnp.full((e_pad - e,), n, jnp.int32)]).reshape(NC * NS, nvec, 16)

    zeros1 = jnp.zeros((n_acc,), jnp.float32)
    zeros_tail = jnp.zeros((max(n_acc - n, 1), half), jnp.float32)

    degp = _sc_degree(dst_deg, zeros1, n_acc, nvec).reshape(NC * NS, n_acc).T

    bm = 1000 if n % 1000 == 0 else (500 if n % 500 == 0 else 8)
    g0, g1 = _tc_matmul(x, W, degp[:n], bm)

    agg = _sc_scatter(g0, g1, src_mp, dst_mp, zeros_tail, n_acc, n, rpt,
                      ch_mp, chunk_mp, half)

    return _tc_final(agg[0, :n], agg[1, :n], degp[:n],
                     b.reshape(1, d_out), prelu_w.reshape(1, 1), bm)

# --- scband reference (transcript-rebuilt; emitter-appended) ---
"""Pipeline reference for scband-feature-decoder-2310692405385 (READ-ONLY COPY).

The authoritative reference and input builder live on the scoring server;
editing this copy changes nothing except your own understanding.
"""

import jax, jax.numpy as jnp
import numpy as np

N = 10000
E = 160000
D_IN = 512
D_OUT = 256


def setup_inputs(seed: int = 0) -> dict:
    key = jax.random.key(seed)
    k1, k2, k3 = jax.random.split(key, 3)
    x = jax.random.normal(k1, (N, D_IN), dtype=jnp.float32)
    edge_index = jax.random.randint(k2, (2, E), 0, N, dtype=jnp.int32)
    # GCNConv linear weight (glorot-ish) and bias; PReLU single weight (default 0.25)
    W = jax.random.normal(k3, (D_IN, D_OUT), dtype=jnp.float32) * (1.0 / np.sqrt(D_IN))
    b = jnp.zeros((D_OUT,), dtype=jnp.float32)
    prelu_w = jnp.array(0.25, dtype=jnp.float32)
    return {"x": x, "edge_index": edge_index, "W": W, "b": b, "prelu_w": prelu_w}


def reference(x, edge_index, W, b, prelu_w):
    # GCNConv with add_self_loops=True, normalize=True (PyG semantics),
    # followed by PReLU activation (dropout is identity in eval/forward here).
    n = x.shape[0]
    loop = jnp.arange(n, dtype=edge_index.dtype)
    src = jnp.concatenate([edge_index[0], loop])
    dst = jnp.concatenate([edge_index[1], loop])
    # symmetric normalization: deg computed at dst with unit edge weights
    deg = jax.ops.segment_sum(jnp.ones_like(src, dtype=x.dtype), dst, num_segments=n)
    dinv = jnp.where(deg > 0, 1.0 / jnp.sqrt(deg), 0.0)
    norm = dinv[src] * dinv[dst]
    # linear transform first (out_channels < in_channels), then propagate
    h = x @ W
    msg = h[src] * norm[:, None]
    agg = jax.ops.segment_sum(msg, dst, num_segments=n)
    out = agg + b
    # PReLU with single shared weight
    out = jnp.where(out >= 0, out, prelu_w * out)
    return out

if __name__ == "__main__":
    import jax
    _d = setup_inputs()
    print(jax.jit(kernel)(*tuple(_d.values())))

</pallas_src>

<mosaic_0001>
#map = affine_map<(d0, d1) -> (0, 0)>
#map1 = affine_map<(d0, d1) -> (0, 0, 0)>
module attributes {stable_mosaic.version = 14 : i64} {
  func.func @mp_kernel(%arg0: i32, %arg1: i32, %arg2: memref<10000x128xf32, #tpu.memory_space<hbm>>, %arg3: memref<10000x128xf32, #tpu.memory_space<hbm>>, %arg4: memref<16x10000xi32, #tpu.memory_space<hbm>>, %arg5: memref<16x125x80xi32, #tpu.memory_space<hbm>>, %arg6: memref<112x128xf32, #tpu.memory_space<hbm>>, %arg7: memref<2x10112x128xf32, #tpu.memory_space<hbm>>, %arg8: memref<10000xi32, #tpu.memory_space<vmem>>, %arg9: memref<125x80xi32, #tpu.memory_space<vmem>>, %arg10: memref<2x80x128xf32, #tpu.memory_space<vmem>>, %arg11: memref<10112x128xf32, #tpu.memory_space<vmem_shared>>, %arg12: memref<!tpu.dma_semaphore, #tpu.memory_space<semaphore_mem>>, %arg13: memref<!tpu.dma_semaphore, #tpu.memory_space<semaphore_mem>>, %arg14: memref<!tpu.dma_semaphore, #tpu.memory_space<semaphore_mem>>, %arg15: memref<!tpu.dma_semaphore, #tpu.memory_space<semaphore_mem>>) attributes {dimension_semantics = [#tpu.dimension_semantics<core_parallel>, #tpu.dimension_semantics<subcore_parallel>], iteration_bounds = array<i64: 2, 16>, scalar_prefetch = 0 : i64, scratch_operands = 8 : i64, tpu.core_type = #tpu.core_type<sc_vector_subcore>, window_params = [{transform_indices = #map}, {transform_indices = #map}, {transform_indices = #map}, {transform_indices = #map1}, {transform_indices = #map}, {transform_indices = #map1}]} {
    %mul3A = arith.constant 632 : i32
    %mul3A_0 = arith.muli %arg1, %mul3A : i32
    "tpu.region"() ({
      %run_scoped3A = tpu.sem_alloc : memref<!tpu.dma_semaphore, #tpu.memory_space<semaphore_mem>>
      %dma_start3A = arith.constant 0 : i32
      %dma_start3A_8 = tpu.memref_slice %arg4[%arg1, %dma_start3A] : memref<16x10000xi32, #tpu.memory_space<hbm>> -> memref<1x10000xi32, #tpu.memory_space<hbm>>
      %dma_start3A_9 = tpu.memref_squeeze %dma_start3A_8 : memref<1x10000xi32, #tpu.memory_space<hbm>> -> memref<10000xi32, #tpu.memory_space<hbm>>
      %dma_start3A_10 = arith.constant 0 : i32
      %dma_start3A_11 = tpu.memref_slice %arg4[%arg1, %dma_start3A_10] : memref<16x10000xi32, #tpu.memory_space<hbm>> -> memref<1x10000xi32, #tpu.memory_space<hbm>>
      %dma_start3A_12 = tpu.memref_squeeze %dma_start3A_11 : memref<1x10000xi32, #tpu.memory_space<hbm>> -> memref<10000xi32, #tpu.memory_space<hbm>>
      tpu.enqueue_dma source(%dma_start3A_12 : memref<10000xi32, #tpu.memory_space<hbm>>) target(%arg8 : memref<10000xi32, #tpu.memory_space<vmem>>) target_semaphore(%run_scoped3A : memref<!tpu.dma_semaphore, #tpu.memory_space<semaphore_mem>>)
      %dma_wait3A = arith.constant 0 : i32
      %dma_wait3A_13 = tpu.memref_slice %arg4[%arg1, %dma_wait3A] : memref<16x10000xi32, #tpu.memory_space<hbm>> -> memref<1x10000xi32, #tpu.memory_space<hbm>>
      %dma_wait3A_14 = tpu.memref_squeeze %dma_wait3A_13 : memref<1x10000xi32, #tpu.memory_space<hbm>> -> memref<10000xi32, #tpu.memory_space<hbm>>
      %dma_wait3A_15 = arith.constant 0 : i32
      %dma_wait3A_16 = tpu.memref_slice %arg4[%arg1, %dma_wait3A_15] : memref<16x10000xi32, #tpu.memory_space<hbm>> -> memref<1x10000xi32, #tpu.memory_space<hbm>>
      %dma_wait3A_17 = tpu.memref_squeeze %dma_wait3A_16 : memref<1x10000xi32, #tpu.memory_space<hbm>> -> memref<10000xi32, #tpu.memory_space<hbm>>
      tpu.wait_dma2 semaphore(%run_scoped3A : memref<!tpu.dma_semaphore, #tpu.memory_space<semaphore_mem>>) src(%dma_wait3A_17 : memref<10000xi32, #tpu.memory_space<hbm>>) dst(%arg8 : memref<10000xi32, #tpu.memory_space<vmem>>)
      tpu.yield
    }) : () -> ()
    "tpu.region"() ({
      %run_scoped3A = tpu.sem_alloc : memref<!tpu.dma_semaphore, #tpu.memory_space<semaphore_mem>>
      %dma_start3A = arith.constant 0 : i32
      %dma_start3A_8 = arith.constant 0 : i32
      %dma_start3A_9 = tpu.memref_slice %arg5[%arg1, %dma_start3A, %dma_start3A_8] : memref<16x125x80xi32, #tpu.memory_space<hbm>> -> memref<1x125x80xi32, #tpu.memory_space<hbm>>
      %dma_start3A_10 = tpu.memref_squeeze %dma_start3A_9 : memref<1x125x80xi32, #tpu.memory_space<hbm>> -> memref<125x80xi32, #tpu.memory_space<hbm>>
      %dma_start3A_11 = arith.constant 0 : i32
      %dma_start3A_12 = arith.constant 0 : i32
      %dma_start3A_13 = tpu.memref_slice %arg5[%arg1, %dma_start3A_11, %dma_start3A_12] : memref<16x125x80xi32, #tpu.memory_space<hbm>> -> memref<1x125x80xi32, #tpu.memory_space<hbm>>
      %dma_start3A_14 = tpu.memref_squeeze %dma_start3A_13 : memref<1x125x80xi32, #tpu.memory_space<hbm>> -> memref<125x80xi32, #tpu.memory_space<hbm>>
      tpu.enqueue_dma source(%dma_start3A_14 : memref<125x80xi32, #tpu.memory_space<hbm>>) target(%arg9 : memref<125x80xi32, #tpu.memory_space<vmem>>) target_semaphore(%run_scoped3A : memref<!tpu.dma_semaphore, #tpu.memory_space<semaphore_mem>>)
      %dma_wait3A = arith.constant 0 : i32
      %dma_wait3A_15 = arith.constant 0 : i32
      %dma_wait3A_16 = tpu.memref_slice %arg5[%arg1, %dma_wait3A, %dma_wait3A_15] : memref<16x125x80xi32, #tpu.memory_space<hbm>> -> memref<1x125x80xi32, #tpu.memory_space<hbm>>
      %dma_wait3A_17 = tpu.memref_squeeze %dma_wait3A_16 : memref<1x125x80xi32, #tpu.memory_space<hbm>> -> memref<125x80xi32, #tpu.memory_space<hbm>>
      %dma_wait3A_18 = arith.constant 0 : i32
      %dma_wait3A_19 = arith.constant 0 : i32
      %dma_wait3A_20 = tpu.memref_slice %arg5[%arg1, %dma_wait3A_18, %dma_wait3A_19] : memref<16x125x80xi32, #tpu.memory_space<hbm>> -> memref<1x125x80xi32, #tpu.memory_space<hbm>>
      %dma_wait3A_21 = tpu.memref_squeeze %dma_wait3A_20 : memref<1x125x80xi32, #tpu.memory_space<hbm>> -> memref<125x80xi32, #tpu.memory_space<hbm>>
      tpu.wait_dma2 semaphore(%run_scoped3A : memref<!tpu.dma_semaphore, #tpu.memory_space<semaphore_mem>>) src(%dma_wait3A_21 : memref<125x80xi32, #tpu.memory_space<hbm>>) dst(%arg9 : memref<125x80xi32, #tpu.memory_space<vmem>>)
      tpu.yield
    }) : () -> ()
    %eq3A = arith.constant 0 : i32
    %eq3A_1 = arith.cmpi eq, %arg0, %eq3A : i32
    %convert_element_type3A = arith.extui %eq3A_1 : i1 to i32
    %cond3A = arith.constant 0 : i32
    %cond3A_2 = arith.cmpi ne, %convert_element_type3A, %cond3A : i32
    scf.if %cond3A_2 {
      %lt3A = arith.constant 15 : i32
      %lt3A_8 = arith.cmpi slt, %arg1, %lt3A : i32
      %convert_element_type3A_9 = arith.extui %lt3A_8 : i1 to i32
      %cond3A_10 = arith.constant 0 : i32
      %cond3A_11 = arith.cmpi ne, %convert_element_type3A_9, %cond3A_10 : i32
      scf.if %cond3A_11 {
        "tpu.region"() ({
          %run_scoped3A = tpu.sem_alloc : memref<!tpu.dma_semaphore, #tpu.memory_space<semaphore_mem>>
          %dma_start3A_43 = arith.constant 0 : i32
          %dma_start3A_44 = tpu.memref_slice %arg11[%mul3A_0, %dma_start3A_43] : memref<10112x128xf32, #tpu.memory_space<vmem_shared>> -> memref<632x128xf32, #tpu.memory_space<vmem_shared>>
          %dma_start3A_45 = arith.constant 0 : i32
          %dma_start3A_46 = tpu.memref_slice %arg2[%mul3A_0, %dma_start3A_45] : memref<10000x128xf32, #tpu.memory_space<hbm>> -> memref<632x128xf32, #tpu.memory_space<hbm>>
          tpu.enqueue_dma source(%dma_start3A_46 : memref<632x128xf32, #tpu.memory_space<hbm>>) target(%dma_start3A_44 : memref<632x128xf32, #tpu.memory_space<vmem_shared>>) target_semaphore(%run_scoped3A : memref<!tpu.dma_semaphore, #tpu.memory_space<semaphore_mem>>)
          %dma_wait3A = arith.constant 0 : i32
          %dma_wait3A_47 = tpu.memref_slice %arg11[%mul3A_0, %dma_wait3A] : memref<10112x128xf32, #tpu.memory_space<vmem_shared>> -> memref<632x128xf32, #tpu.memory_space<vmem_shared>>
          %dma_wait3A_48 = arith.constant 0 : i32
          %dma_wait3A_49 = tpu.memref_slice %arg2[%mul3A_0, %dma_wait3A_48] : memref<10000x128xf32, #tpu.memory_space<hbm>> -> memref<632x128xf32, #tpu.memory_space<hbm>>
          tpu.wait_dma2 semaphore(%run_scoped3A : memref<!tpu.dma_semaphore, #tpu.memory_space<semaphore_mem>>) src(%dma_wait3A_49 : memref<632x128xf32, #tpu.memory_space<hbm>>) dst(%dma_wait3A_47 : memref<632x128xf32, #tpu.memory_space<vmem_shared>>)
          tpu.yield
        }) : () -> ()
      } else {
      }
      %eq3A_12 = arith.constant 15 : i32
      %eq3A_13 = arith.cmpi eq, %arg1, %eq3A_12 : i32
      %convert_element_type3A_14 = arith.extui %eq3A_13 : i1 to i32
      %cond3A_15 = arith.constant 0 : i32
      %cond3A_16 = arith.cmpi ne, %convert_element_type3A_14, %cond3A_15 : i32
      scf.if %cond3A_16 {
        "tpu.region"() ({
          %run_scoped3A = tpu.sem_alloc : memref<!tpu.dma_semaphore, #tpu.memory_space<semaphore_mem>>
          %dma_start3A_43 = arith.constant 9480 : i32
          %dma_start3A_44 = arith.constant 0 : i32
          %dma_start3A_45 = tpu.memref_slice %arg11[%dma_start3A_43, %dma_start3A_44] : memref<10112x128xf32, #tpu.memory_space<vmem_shared>> -> memref<520x128xf32, #tpu.memory_space<vmem_shared>>
          %dma_start3A_46 = arith.constant 9480 : i32
          %dma_start3A_47 = arith.constant 0 : i32
          %dma_start3A_48 = tpu.memref_slice %arg2[%dma_start3A_46, %dma_start3A_47] : memref<10000x128xf32, #tpu.memory_space<hbm>> -> memref<520x128xf32, #tpu.memory_space<hbm>>
          tpu.enqueue_dma source(%dma_start3A_48 : memref<520x128xf32, #tpu.memory_space<hbm>>) target(%dma_start3A_45 : memref<520x128xf32, #tpu.memory_space<vmem_shared>>) target_semaphore(%run_scoped3A : memref<!tpu.dma_semaphore, #tpu.memory_space<semaphore_mem>>)
          %dma_wait3A = arith.constant 9480 : i32
          %dma_wait3A_49 = arith.constant 0 : i32
          %dma_wait3A_50 = tpu.memref_slice %arg11[%dma_wait3A, %dma_wait3A_49] : memref<10112x128xf32, #tpu.memory_space<vmem_shared>> -> memref<520x128xf32, #tpu.memory_space<vmem_shared>>
          %dma_wait3A_51 = arith.constant 9480 : i32
          %dma_wait3A_52 = arith.constant 0 : i32
          %dma_wait3A_53 = tpu.memref_slice %arg2[%dma_wait3A_51, %dma_wait3A_52] : memref<10000x128xf32, #tpu.memory_space<hbm>> -> memref<520x128xf32, #tpu.memory_space<hbm>>
          tpu.wait_dma2 semaphore(%run_scoped3A : memref<!tpu.dma_semaphore, #tpu.memory_space<semaphore_mem>>) src(%dma_wait3A_53 : memref<520x128xf32, #tpu.memory_space<hbm>>) dst(%dma_wait3A_50 : memref<520x128xf32, #tpu.memory_space<vmem_shared>>)
          tpu.yield
        }) : () -> ()
        "tpu.region"() ({
          %run_scoped3A = tpu.sem_alloc : memref<!tpu.dma_semaphore, #tpu.memory_space<semaphore_mem>>
          %dma_start3A_43 = arith.constant 10000 : i32
          %dma_start3A_44 = arith.constant 0 : i32
          %dma_start3A_45 = tpu.memref_slice %arg11[%dma_start3A_43, %dma_start3A_44] : memref<10112x128xf32, #tpu.memory_space<vmem_shared>> -> memref<112x128xf32, #tpu.memory_space<vmem_shared>>
          tpu.enqueue_dma source(%arg6 : memref<112x128xf32, #tpu.memory_space<hbm>>) target(%dma_start3A_45 : memref<112x128xf32, #tpu.memory_space<vmem_shared>>) target_semaphore(%run_scoped3A : memref<!tpu.dma_semaphore, #tpu.memory_space<semaphore_mem>>)
          %dma_wait3A = arith.constant 10000 : i32
          %dma_wait3A_46 = arith.constant 0 : i32
          %dma_wait3A_47 = tpu.memref_slice %arg11[%dma_wait3A, %dma_wait3A_46] : memref<10112x128xf32, #tpu.memory_space<vmem_shared>> -> memref<112x128xf32, #tpu.memory_space<vmem_shared>>
          tpu.wait_dma2 semaphore(%run_scoped3A : memref<!tpu.dma_semaphore, #tpu.memory_space<semaphore_mem>>) src(%arg6 : memref<112x128xf32, #tpu.memory_space<hbm>>) dst(%dma_wait3A_47 : memref<112x128xf32, #tpu.memory_space<vmem_shared>>)
          tpu.yield
        }) : () -> ()
      } else {
      }
      %barrier3A_17 = arith.constant 0 : index
      tpu.barrier barrier_id(%barrier3A_17)
      %multiple_of3A = arith.constant 0 : i32
      %multiple_of3A_18 = tpu.assume_multiple %multiple_of3A, 80 : i32
      %dma_start3A = arith.constant 0 : i32
      %dma_start3A_19 = arith.constant 0 : i32
      %dma_start3A_20 = arith.constant 0 : i32
      %dma_start3A_21 = tpu.memref_slice %arg10[%dma_start3A, %dma_start3A_19, %dma_start3A_20] : memref<2x80x128xf32, #tpu.memory_space<vmem>> -> memref<1x80x128xf32, #tpu.memory_space<vmem>>
      %dma_start3A_22 = tpu.memref_squeeze %dma_start3A_21 : memref<1x80x128xf32, #tpu.memory_space<vmem>> -> memref<80x128xf32, #tpu.memory_space<vmem>>
      %dma_start3A_23 = tpu.memref_slice %arg8[%multiple_of3A_18] : memref<10000xi32, #tpu.memory_space<vmem>> -> memref<80xi32, #tpu.memory_space<vmem>>
      %dma_start3A_24 = arith.constant 0 : i32
      %dma_start3A_25 = arith.constant 0 : i32
      %dma_start3A_26 = tpu.memref_slice %arg2[%dma_start3A_24, %dma_start3A_25] : memref<10000x128xf32, #tpu.memory_space<hbm>> -> memref<10000x128xf32, #tpu.memory_space<hbm>>
      tpu.enqueue_indirect_dma source(%dma_start3A_26 : memref<10000x128xf32, #tpu.memory_space<hbm>>) target(%dma_start3A_22 : memref<80x128xf32, #tpu.memory_space<vmem>>) offsets(%dma_start3A_23 : memref<80xi32, #tpu.memory_space<vmem>>) semaphore(%arg12 : memref<!tpu.dma_semaphore, #tpu.memory_space<semaphore_mem>>)
      %multiple_of3A_27 = arith.constant 80 : i32
      %multiple_of3A_28 = tpu.assume_multiple %multiple_of3A_27, 80 : i32
      %dma_start3A_29 = arith.constant 1 : i32
      %dma_start3A_30 = arith.constant 0 : i32
      %dma_start3A_31 = arith.constant 0 : i32
      %dma_start3A_32 = tpu.memref_slice %arg10[%dma_start3A_29, %dma_start3A_30, %dma_start3A_31] : memref<2x80x128xf32, #tpu.memory_space<vmem>> -> memref<1x80x128xf32, #tpu.memory_space<vmem>>
      %dma_start3A_33 = tpu.memref_squeeze %dma_start3A_32 : memref<1x80x128xf32, #tpu.memory_space<vmem>> -> memref<80x128xf32, #tpu.memory_space<vmem>>
      %dma_start3A_34 = tpu.memref_slice %arg8[%multiple_of3A_28] : memref<10000xi32, #tpu.memory_space<vmem>> -> memref<80xi32, #tpu.memory_space<vmem>>
      %dma_start3A_35 = arith.constant 0 : i32
      %dma_start3A_36 = arith.constant 0 : i32
      %dma_start3A_37 = tpu.memref_slice %arg2[%dma_start3A_35, %dma_start3A_36] : memref<10000x128xf32, #tpu.memory_space<hbm>> -> memref<10000x128xf32, #tpu.memory_space<hbm>>
      tpu.enqueue_indirect_dma source(%dma_start3A_37 : memref<10000x128xf32, #tpu.memory_space<hbm>>) target(%dma_start3A_33 : memref<80x128xf32, #tpu.memory_space<vmem>>) offsets(%dma_start3A_34 : memref<80xi32, #tpu.memory_space<vmem>>) semaphore(%arg13 : memref<!tpu.dma_semaphore, #tpu.memory_space<semaphore_mem>>)
      %scan3A = arith.constant 0 : i32
      %scan3A_38 = arith.constant 0 : i32
      %scan3A_39 = arith.constant 125 : i32
      %scan3A_40 = arith.addi %scan3A_38, %scan3A_39 : i32
      %scan3A_41 = arith.constant 1 : i32
      scf.for %scan3A_43 = %scan3A_38 to %scan3A_40 step %scan3A_41  : i32 {
        %jit3A = arith.constant 2 : i32
        %eq3A_44 = arith.constant 0 : i32
        %eq3A_45 = arith.cmpi eq, %jit3A, %eq3A_44 : i32
        %jit3A_46 = arith.constant 1 : i32
        %select_n3A = arith.select %eq3A_45, %jit3A_46, %jit3A : i32
        %rem3A = arith.remsi %scan3A_43, %select_n3A : i32
        %ne3A = arith.constant 0 : i32
        %ne3A_47 = arith.cmpi ne, %rem3A, %ne3A : i32
        %lt3A_48 = arith.constant 0 : i32
        %lt3A_49 = arith.cmpi slt, %rem3A, %lt3A_48 : i32
        %lt3A_50 = arith.constant 0 : i32
        %lt3A_51 = arith.cmpi slt, %select_n3A, %lt3A_50 : i32
        %ne3A_52 = arith.xori %lt3A_49, %lt3A_51 : i1
        %and3A = arith.andi %ne3A_52, %ne3A_47 : i1
        %add3A = arith.addi %rem3A, %select_n3A : i32
        %select_n3A_53 = arith.select %and3A, %add3A, %rem3A : i32
        %eq3A_54 = arith.constant 0 : i32
        %eq3A_55 = arith.cmpi eq, %select_n3A_53, %eq3A_54 : i32
        %convert_element_type3A_56 = arith.extui %eq3A_55 : i1 to i32
        %cond3A_57 = arith.constant 0 : i32
        %cond3A_58 = arith.cmpi ne, %convert_element_type3A_56, %cond3A_57 : i32
        scf.if %cond3A_58 {
          %mul3A_80 = arith.constant 80 : i32
          %mul3A_81 = arith.muli %scan3A_43, %mul3A_80 : i32
          %multiple_of3A_82 = tpu.assume_multiple %mul3A_81, 80 : i32
          %dma_wait3A = arith.constant 0 : i32
          %dma_wait3A_83 = arith.constant 0 : i32
          %dma_wait3A_84 = arith.constant 0 : i32
          %dma_wait3A_85 = tpu.memref_slice %arg10[%dma_wait3A, %dma_wait3A_83, %dma_wait3A_84] : memref<2x80x128xf32, #tpu.memory_space<vmem>> -> memref<1x80x128xf32, #tpu.memory_space<vmem>>
          %dma_wait3A_86 = tpu.memref_squeeze %dma_wait3A_85 : memref<1x80x128xf32, #tpu.memory_space<vmem>> -> memref<80x128xf32, #tpu.memory_space<vmem>>
          %dma_wait3A_87 = tpu.memref_slice %arg8[%multiple_of3A_82] : memref<10000xi32, #tpu.memory_space<vmem>> -> memref<80xi32, #tpu.memory_space<vmem>>
          %dma_wait3A_88 = arith.constant 0 : i32
          %dma_wait3A_89 = arith.constant 0 : i32
          %dma_wait3A_90 = tpu.memref_slice %arg2[%dma_wait3A_88, %dma_wait3A_89] : memref<10000x128xf32, #tpu.memory_space<hbm>> -> memref<10000x128xf32, #tpu.memory_space<hbm>>
          tpu.wait_indirect_dma semaphore(%arg12 : memref<!tpu.dma_semaphore, #tpu.memory_space<semaphore_mem>>) src(%dma_wait3A_90 : memref<10000x128xf32, #tpu.memory_space<hbm>>) dst(%dma_wait3A_86 : memref<80x128xf32, #tpu.memory_space<vmem>>)
          %run_scoped3A = arith.constant 0 : i32
          "tpu.region"() ({
            %run_scoped3A_98 = tpu.sem_alloc : memref<!tpu.dma_semaphore, #tpu.memory_space<semaphore_mem>>
            %dma_start3A_99 = arith.constant 0 : i32
            %dma_start3A_100 = arith.constant 0 : i32
            %dma_start3A_101 = tpu.memref_slice %arg10[%run_scoped3A, %dma_start3A_99, %dma_start3A_100] : memref<2x80x128xf32, #tpu.memory_space<vmem>> -> memref<1x80x128xf32, #tpu.memory_space<vmem>>
            %dma_start3A_102 = tpu.memref_squeeze %dma_start3A_101 : memref<1x80x128xf32, #tpu.memory_space<vmem>> -> memref<80x128xf32, #tpu.memory_space<vmem>>
            %dma_start3A_103 = arith.constant 0 : i32
            %dma_start3A_104 = tpu.memref_slice %arg9[%scan3A_43, %dma_start3A_103] : memref<125x80xi32, #tpu.memory_space<vmem>> -> memref<1x80xi32, #tpu.memory_space<vmem>>
            %dma_start3A_105 = tpu.memref_squeeze %dma_start3A_104 : memref<1x80xi32, #tpu.memory_space<vmem>> -> memref<80xi32, #tpu.memory_space<vmem>>
            %dma_start3A_106 = arith.constant 0 : i32
            %dma_start3A_107 = arith.constant 0 : i32
            %dma_start3A_108 = tpu.memref_slice %arg11[%dma_start3A_106, %dma_start3A_107] : memref<10112x128xf32, #tpu.memory_space<vmem_shared>> -> memref<10112x128xf32, #tpu.memory_space<vmem_shared>>
            tpu.enqueue_indirect_dma source(%dma_start3A_102 : memref<80x128xf32, #tpu.memory_space<vmem>>) target(%dma_start3A_108 : memref<10112x128xf32, #tpu.memory_space<vmem_shared>>) offsets(%dma_start3A_105 : memref<80xi32, #tpu.memory_space<vmem>>) semaphore(%run_scoped3A_98 : memref<!tpu.dma_semaphore, #tpu.memory_space<semaphore_mem>>) {add = true}
            %dma_wait3A_109 = arith.constant 0 : i32
            %dma_wait3A_110 = arith.constant 0 : i32
            %dma_wait3A_111 = tpu.memref_slice %arg10[%run_scoped3A, %dma_wait3A_109, %dma_wait3A_110] : memref<2x80x128xf32, #tpu.memory_space<vmem>> -> memref<1x80x128xf32, #tpu.memory_space<vmem>>
            %dma_wait3A_112 = tpu.memref_squeeze %dma_wait3A_111 : memref<1x80x128xf32, #tpu.memory_space<vmem>> -> memref<80x128xf32, #tpu.memory_space<vmem>>
            %dma_wait3A_113 = arith.constant 0 : i32
            %dma_wait3A_114 = tpu.memref_slice %arg9[%scan3A_43, %dma_wait3A_113] : memref<125x80xi32, #tpu.memory_space<vmem>> -> memref<1x80xi32, #tpu.memory_space<vmem>>
            %dma_wait3A_115 = tpu.memref_squeeze %dma_wait3A_114 : memref<1x80xi32, #tpu.memory_space<vmem>> -> memref<80xi32, #tpu.memory_space<vmem>>
            %dma_wait3A_116 = arith.constant 0 : i32
            %dma_wait3A_117 = arith.constant 0 : i32
            %dma_wait3A_118 = tpu.memref_slice %arg11[%dma_wait3A_116, %dma_wait3A_117] : memref<10112x128xf32, #tpu.memory_space<vmem_shared>> -> memref<10112x128xf32, #tpu.memory_space<vmem_shared>>
            tpu.wait_indirect_dma semaphore(%run_scoped3A_98 : memref<!tpu.dma_semaphore, #tpu.memory_space<semaphore_mem>>) src(%dma_wait3A_112 : memref<80x128xf32, #tpu.memory_space<vmem>>) dst(%dma_wait3A_118 : memref<10112x128xf32, #tpu.memory_space<vmem_shared>>)
            tpu.yield
          }) : () -> ()
          %add3A_91 = arith.constant 2 : i32
          %add3A_92 = arith.addi %scan3A_43, %add3A_91 : i32
          %lt3A_93 = arith.constant 125 : i32
          %lt3A_94 = arith.cmpi slt, %add3A_92, %lt3A_93 : i32
          %convert_element_type3A_95 = arith.extui %lt3A_94 : i1 to i32
          %cond3A_96 = arith.constant 0 : i32
          %cond3A_97 = arith.cmpi ne, %convert_element_type3A_95, %cond3A_96 : i32
          scf.if %cond3A_97 {
            %add3A_98 = arith.constant 2 : i32
            %add3A_99 = arith.addi %scan3A_43, %add3A_98 : i32
            %mul3A_100 = arith.constant 80 : i32
            %mul3A_101 = arith.muli %add3A_99, %mul3A_100 : i32
            %multiple_of3A_102 = tpu.assume_multiple %mul3A_101, 80 : i32
            %dma_start3A_103 = arith.constant 0 : i32
            %dma_start3A_104 = arith.constant 0 : i32
            %dma_start3A_105 = arith.constant 0 : i32
            %dma_start3A_106 = tpu.memref_slice %arg10[%dma_start3A_103, %dma_start3A_104, %dma_start3A_105] : memref<2x80x128xf32, #tpu.memory_space<vmem>> -> memref<1x80x128xf32, #tpu.memory_space<vmem>>
            %dma_start3A_107 = tpu.memref_squeeze %dma_start3A_106 : memref<1x80x128xf32, #tpu.memory_space<vmem>> -> memref<80x128xf32, #tpu.memory_space<vmem>>
            %dma_start3A_108 = tpu.memref_slice %arg8[%multiple_of3A_102] : memref<10000xi32, #tpu.memory_space<vmem>> -> memref<80xi32, #tpu.memory_space<vmem>>
            %dma_start3A_109 = arith.constant 0 : i32
            %dma_start3A_110 = arith.constant 0 : i32
            %dma_start3A_111 = tpu.memref_slice %arg2[%dma_start3A_109, %dma_start3A_110] : memref<10000x128xf32, #tpu.memory_space<hbm>> -> memref<10000x128xf32, #tpu.memory_space<hbm>>
            tpu.enqueue_indirect_dma source(%dma_start3A_111 : memref<10000x128xf32, #tpu.memory_space<hbm>>) target(%dma_start3A_107 : memref<80x128xf32, #tpu.memory_space<vmem>>) offsets(%dma_start3A_108 : memref<80xi32, #tpu.memory_space<vmem>>) semaphore(%arg12 : memref<!tpu.dma_semaphore, #tpu.memory_space<semaphore_mem>>)
          } else {
          }
        } else {
        }
        %jit3A_59 = arith.constant 2 : i32
        %eq3A_60 = arith.constant 0 : i32
        %eq3A_61 = arith.cmpi eq, %jit3A_59, %eq3A_60 : i32
        %jit3A_62 = arith.constant 1 : i32
        %select_n3A_63 = arith.select %eq3A_61, %jit3A_62, %jit3A_59 : i32
        %rem3A_64 = arith.remsi %scan3A_43, %select_n3A_63 : i32
        %ne3A_65 = arith.constant 0 : i32
        %ne3A_66 = arith.cmpi ne, %rem3A_64, %ne3A_65 : i32
        %lt3A_67 = arith.constant 0 : i32
        %lt3A_68 = arith.cmpi slt, %rem3A_64, %lt3A_67 : i32
        %lt3A_69 = arith.constant 0 : i32
        %lt3A_70 = arith.cmpi slt, %select_n3A_63, %lt3A_69 : i32
        %ne3A_71 = arith.xori %lt3A_68, %lt3A_70 : i1
        %and3A_72 = arith.andi %ne3A_71, %ne3A_66 : i1
        %add3A_73 = arith.addi %rem3A_64, %select_n3A_63 : i32
        %select_n3A_74 = arith.select %and3A_72, %add3A_73, %rem3A_64 : i32
        %eq3A_75 = arith.constant 1 : i32
        %eq3A_76 = arith.cmpi eq, %select_n3A_74, %eq3A_75 : i32
        %convert_element_type3A_77 = arith.extui %eq3A_76 : i1 to i32
        %cond3A_78 = arith.constant 0 : i32
        %cond3A_79 = arith.cmpi ne, %convert_element_type3A_77, %cond3A_78 : i32
        scf.if %cond3A_79 {
          %mul3A_80 = arith.constant 80 : i32
          %mul3A_81 = arith.muli %scan3A_43, %mul3A_80 : i32
          %multiple_of3A_82 = tpu.assume_multiple %mul3A_81, 80 : i32
          %dma_wait3A = arith.constant 1 : i32
          %dma_wait3A_83 = arith.constant 0 : i32
          %dma_wait3A_84 = arith.constant 0 : i32
          %dma_wait3A_85 = tpu.memref_slice %arg10[%dma_wait3A, %dma_wait3A_83, %dma_wait3A_84] : memref<2x80x128xf32, #tpu.memory_space<vmem>> -> memref<1x80x128xf32, #tpu.memory_space<vmem>>
          %dma_wait3A_86 = tpu.memref_squeeze %dma_wait3A_85 : memref<1x80x128xf32, #tpu.memory_space<vmem>> -> memref<80x128xf32, #tpu.memory_space<vmem>>
          %dma_wait3A_87 = tpu.memref_slice %arg8[%multiple_of3A_82] : memref<10000xi32, #tpu.memory_space<vmem>> -> memref<80xi32, #tpu.memory_space<vmem>>
          %dma_wait3A_88 = arith.constant 0 : i32
          %dma_wait3A_89 = arith.constant 0 : i32
          %dma_wait3A_90 = tpu.memref_slice %arg2[%dma_wait3A_88, %dma_wait3A_89] : memref<10000x128xf32, #tpu.memory_space<hbm>> -> memref<10000x128xf32, #tpu.memory_space<hbm>>
          tpu.wait_indirect_dma semaphore(%arg13 : memref<!tpu.dma_semaphore, #tpu.memory_space<semaphore_mem>>) src(%dma_wait3A_90 : memref<10000x128xf32, #tpu.memory_space<hbm>>) dst(%dma_wait3A_86 : memref<80x128xf32, #tpu.memory_space<vmem>>)
          %run_scoped3A = arith.constant 1 : i32
          "tpu.region"() ({
            %run_scoped3A_98 = tpu.sem_alloc : memref<!tpu.dma_semaphore, #tpu.memory_space<semaphore_mem>>
            %dma_start3A_99 = arith.constant 0 : i32
            %dma_start3A_100 = arith.constant 0 : i32
            %dma_start3A_101 = tpu.memref_slice %arg10[%run_scoped3A, %dma_start3A_99, %dma_start3A_100] : memref<2x80x128xf32, #tpu.memory_space<vmem>> -> memref<1x80x128xf32, #tpu.memory_space<vmem>>
            %dma_start3A_102 = tpu.memref_squeeze %dma_start3A_101 : memref<1x80x128xf32, #tpu.memory_space<vmem>> -> memref<80x128xf32, #tpu.memory_space<vmem>>
            %dma_start3A_103 = arith.constant 0 : i32
            %dma_start3A_104 = tpu.memref_slice %arg9[%scan3A_43, %dma_start3A_103] : memref<125x80xi32, #tpu.memory_space<vmem>> -> memref<1x80xi32, #tpu.memory_space<vmem>>
            %dma_start3A_105 = tpu.memref_squeeze %dma_start3A_104 : memref<1x80xi32, #tpu.memory_space<vmem>> -> memref<80xi32, #tpu.memory_space<vmem>>
            %dma_start3A_106 = arith.constant 0 : i32
            %dma_start3A_107 = arith.constant 0 : i32
            %dma_start3A_108 = tpu.memref_slice %arg11[%dma_start3A_106, %dma_start3A_107] : memref<10112x128xf32, #tpu.memory_space<vmem_shared>> -> memref<10112x128xf32, #tpu.memory_space<vmem_shared>>
            tpu.enqueue_indirect_dma source(%dma_start3A_102 : memref<80x128xf32, #tpu.memory_space<vmem>>) target(%dma_start3A_108 : memref<10112x128xf32, #tpu.memory_space<vmem_shared>>) offsets(%dma_start3A_105 : memref<80xi32, #tpu.memory_space<vmem>>) semaphore(%run_scoped3A_98 : memref<!tpu.dma_semaphore, #tpu.memory_space<semaphore_mem>>) {add = true}
            %dma_wait3A_109 = arith.constant 0 : i32
            %dma_wait3A_110 = arith.constant 0 : i32
            %dma_wait3A_111 = tpu.memref_slice %arg10[%run_scoped3A, %dma_wait3A_109, %dma_wait3A_110] : memref<2x80x128xf32, #tpu.memory_space<vmem>> -> memref<1x80x128xf32, #tpu.memory_space<vmem>>
            %dma_wait3A_112 = tpu.memref_squeeze %dma_wait3A_111 : memref<1x80x128xf32, #tpu.memory_space<vmem>> -> memref<80x128xf32, #tpu.memory_space<vmem>>
            %dma_wait3A_113 = arith.constant 0 : i32
            %dma_wait3A_114 = tpu.memref_slice %arg9[%scan3A_43, %dma_wait3A_113] : memref<125x80xi32, #tpu.memory_space<vmem>> -> memref<1x80xi32, #tpu.memory_space<vmem>>
            %dma_wait3A_115 = tpu.memref_squeeze %dma_wait3A_114 : memref<1x80xi32, #tpu.memory_space<vmem>> -> memref<80xi32, #tpu.memory_space<vmem>>
            %dma_wait3A_116 = arith.constant 0 : i32
            %dma_wait3A_117 = arith.constant 0 : i32
            %dma_wait3A_118 = tpu.memref_slice %arg11[%dma_wait3A_116, %dma_wait3A_117] : memref<10112x128xf32, #tpu.memory_space<vmem_shared>> -> memref<10112x128xf32, #tpu.memory_space<vmem_shared>>
            tpu.wait_indirect_dma semaphore(%run_scoped3A_98 : memref<!tpu.dma_semaphore, #tpu.memory_space<semaphore_mem>>) src(%dma_wait3A_112 : memref<80x128xf32, #tpu.memory_space<vmem>>) dst(%dma_wait3A_118 : memref<10112x128xf32, #tpu.memory_space<vmem_shared>>)
            tpu.yield
          }) : () -> ()
          %add3A_91 = arith.constant 2 : i32
          %add3A_92 = arith.addi %scan3A_43, %add3A_91 : i32
          %lt3A_93 = arith.constant 125 : i32
          %lt3A_94 = arith.cmpi slt, %add3A_92, %lt3A_93 : i32
          %convert_element_type3A_95 = arith.extui %lt3A_94 : i1 to i32
          %cond3A_96 = arith.constant 0 : i32
          %cond3A_97 = arith.cmpi ne, %convert_element_type3A_95, %cond3A_96 : i32
          scf.if %cond3A_97 {
            %add3A_98 = arith.constant 2 : i32
            %add3A_99 = arith.addi %scan3A_43, %add3A_98 : i32
            %mul3A_100 = arith.constant 80 : i32
            %mul3A_101 = arith.muli %add3A_99, %mul3A_100 : i32
            %multiple_of3A_102 = tpu.assume_multiple %mul3A_101, 80 : i32
            %dma_start3A_103 = arith.constant 1 : i32
            %dma_start3A_104 = arith.constant 0 : i32
            %dma_start3A_105 = arith.constant 0 : i32
            %dma_start3A_106 = tpu.memref_slice %arg10[%dma_start3A_103, %dma_start3A_104, %dma_start3A_105] : memref<2x80x128xf32, #tpu.memory_space<vmem>> -> memref<1x80x128xf32, #tpu.memory_space<vmem>>
            %dma_start3A_107 = tpu.memref_squeeze %dma_start3A_106 : memref<1x80x128xf32, #tpu.memory_space<vmem>> -> memref<80x128xf32, #tpu.memory_space<vmem>>
            %dma_start3A_108 = tpu.memref_slice %arg8[%multiple_of3A_102] : memref<10000xi32, #tpu.memory_space<vmem>> -> memref<80xi32, #tpu.memory_space<vmem>>
            %dma_start3A_109 = arith.constant 0 : i32
            %dma_start3A_110 = arith.constant 0 : i32
            %dma_start3A_111 = tpu.memref_slice %arg2[%dma_start3A_109, %dma_start3A_110] : memref<10000x128xf32, #tpu.memory_space<hbm>> -> memref<10000x128xf32, #tpu.memory_space<hbm>>
            tpu.enqueue_indirect_dma source(%dma_start3A_111 : memref<10000x128xf32, #tpu.memory_space<hbm>>) target(%dma_start3A_107 : memref<80x128xf32, #tpu.memory_space<vmem>>) offsets(%dma_start3A_108 : memref<80xi32, #tpu.memory_space<vmem>>) semaphore(%arg13 : memref<!tpu.dma_semaphore, #tpu.memory_space<semaphore_mem>>)
          } else {
          }
        } else {
        }
      }
      %scan3A_42 = arith.constant 125 : i32
    } else {
    }
    %eq3A_3 = arith.constant 1 : i32
    %eq3A_4 = arith.cmpi eq, %arg0, %eq3A_3 : i32
    %convert_element_type3A_5 = arith.extui %eq3A_4 : i1 to i32
    %cond3A_6 = arith.constant 0 : i32
    %cond3A_7 = arith.cmpi ne, %convert_element_type3A_5, %cond3A_6 : i32
    scf.if %cond3A_7 {
      %lt3A = arith.constant 15 : i32
      %lt3A_8 = arith.cmpi slt, %arg1, %lt3A : i32
      %convert_element_type3A_9 = arith.extui %lt3A_8 : i1 to i32
      %cond3A_10 = arith.constant 0 : i32
      %cond3A_11 = arith.cmpi ne, %convert_element_type3A_9, %cond3A_10 : i32
      scf.if %cond3A_11 {
        "tpu.region"() ({
          %run_scoped3A = tpu.sem_alloc : memref<!tpu.dma_semaphore, #tpu.memory_space<semaphore_mem>>
          %dma_start3A_43 = arith.constant 0 : i32
          %dma_start3A_44 = tpu.memref_slice %arg11[%mul3A_0, %dma_start3A_43] : memref<10112x128xf32, #tpu.memory_space<vmem_shared>> -> memref<632x128xf32, #tpu.memory_space<vmem_shared>>
          %dma_start3A_45 = arith.constant 0 : i32
          %dma_start3A_46 = tpu.memref_slice %arg3[%mul3A_0, %dma_start3A_45] : memref<10000x128xf32, #tpu.memory_space<hbm>> -> memref<632x128xf32, #tpu.memory_space<hbm>>
          tpu.enqueue_dma source(%dma_start3A_46 : memref<632x128xf32, #tpu.memory_space<hbm>>) target(%dma_start3A_44 : memref<632x128xf32, #tpu.memory_space<vmem_shared>>) target_semaphore(%run_scoped3A : memref<!tpu.dma_semaphore, #tpu.memory_space<semaphore_mem>>)
          %dma_wait3A = arith.constant 0 : i32
          %dma_wait3A_47 = tpu.memref_slice %arg11[%mul3A_0, %dma_wait3A] : memref<10112x128xf32, #tpu.memory_space<vmem_shared>> -> memref<632x128xf32, #tpu.memory_space<vmem_shared>>
          %dma_wait3A_48 = arith.constant 0 : i32
          %dma_wait3A_49 = tpu.memref_slice %arg3[%mul3A_0, %dma_wait3A_48] : memref<10000x128xf32, #tpu.memory_space<hbm>> -> memref<632x128xf32, #tpu.memory_space<hbm>>
          tpu.wait_dma2 semaphore(%run_scoped3A : memref<!tpu.dma_semaphore, #tpu.memory_space<semaphore_mem>>) src(%dma_wait3A_49 : memref<632x128xf32, #tpu.memory_space<hbm>>) dst(%dma_wait3A_47 : memref<632x128xf32, #tpu.memory_space<vmem_shared>>)
          tpu.yield
        }) : () -> ()
      } else {
      }
      %eq3A_12 = arith.constant 15 : i32
      %eq3A_13 = arith.cmpi eq, %arg1, %eq3A_12 : i32
      %convert_element_type3A_14 = arith.extui %eq3A_13 : i1 to i32
      %cond3A_15 = arith.constant 0 : i32
      %cond3A_16 = arith.cmpi ne, %convert_element_type3A_14, %cond3A_15 : i32
      scf.if %cond3A_16 {
        "tpu.region"() ({
          %run_scoped3A = tpu.sem_alloc : memref<!tpu.dma_semaphore, #tpu.memory_space<semaphore_mem>>
          %dma_start3A_43 = arith.constant 9480 : i32
          %dma_start3A_44 = arith.constant 0 : i32
          %dma_start3A_45 = tpu.memref_slice %arg11[%dma_start3A_43, %dma_start3A_44] : memref<10112x128xf32, #tpu.memory_space<vmem_shared>> -> memref<520x128xf32, #tpu.memory_space<vmem_shared>>
          %dma_start3A_46 = arith.constant 9480 : i32
          %dma_start3A_47 = arith.constant 0 : i32
          %dma_start3A_48 = tpu.memref_slice %arg3[%dma_start3A_46, %dma_start3A_47] : memref<10000x128xf32, #tpu.memory_space<hbm>> -> memref<520x128xf32, #tpu.memory_space<hbm>>
          tpu.enqueue_dma source(%dma_start3A_48 : memref<520x128xf32, #tpu.memory_space<hbm>>) target(%dma_start3A_45 : memref<520x128xf32, #tpu.memory_space<vmem_shared>>) target_semaphore(%run_scoped3A : memref<!tpu.dma_semaphore, #tpu.memory_space<semaphore_mem>>)
          %dma_wait3A = arith.constant 9480 : i32
          %dma_wait3A_49 = arith.constant 0 : i32
          %dma_wait3A_50 = tpu.memref_slice %arg11[%dma_wait3A, %dma_wait3A_49] : memref<10112x128xf32, #tpu.memory_space<vmem_shared>> -> memref<520x128xf32, #tpu.memory_space<vmem_shared>>
          %dma_wait3A_51 = arith.constant 9480 : i32
          %dma_wait3A_52 = arith.constant 0 : i32
          %dma_wait3A_53 = tpu.memref_slice %arg3[%dma_wait3A_51, %dma_wait3A_52] : memref<10000x128xf32, #tpu.memory_space<hbm>> -> memref<520x128xf32, #tpu.memory_space<hbm>>
          tpu.wait_dma2 semaphore(%run_scoped3A : memref<!tpu.dma_semaphore, #tpu.memory_space<semaphore_mem>>) src(%dma_wait3A_53 : memref<520x128xf32, #tpu.memory_space<hbm>>) dst(%dma_wait3A_50 : memref<520x128xf32, #tpu.memory_space<vmem_shared>>)
          tpu.yield
        }) : () -> ()
        "tpu.region"() ({
          %run_scoped3A = tpu.sem_alloc : memref<!tpu.dma_semaphore, #tpu.memory_space<semaphore_mem>>
          %dma_start3A_43 = arith.constant 10000 : i32
          %dma_start3A_44 = arith.constant 0 : i32
          %dma_start3A_45 = tpu.memref_slice %arg11[%dma_start3A_43, %dma_start3A_44] : memref<10112x128xf32, #tpu.memory_space<vmem_shared>> -> memref<112x128xf32, #tpu.memory_space<vmem_shared>>
          tpu.enqueue_dma source(%arg6 : memref<112x128xf32, #tpu.memory_space<hbm>>) target(%dma_start3A_45 : memref<112x128xf32, #tpu.memory_space<vmem_shared>>) target_semaphore(%run_scoped3A : memref<!tpu.dma_semaphore, #tpu.memory_space<semaphore_mem>>)
          %dma_wait3A = arith.constant 10000 : i32
          %dma_wait3A_46 = arith.constant 0 : i32
          %dma_wait3A_47 = tpu.memref_slice %arg11[%dma_wait3A, %dma_wait3A_46] : memref<10112x128xf32, #tpu.memory_space<vmem_shared>> -> memref<112x128xf32, #tpu.memory_space<vmem_shared>>
          tpu.wait_dma2 semaphore(%run_scoped3A : memref<!tpu.dma_semaphore, #tpu.memory_space<semaphore_mem>>) src(%arg6 : memref<112x128xf32, #tpu.memory_space<hbm>>) dst(%dma_wait3A_47 : memref<112x128xf32, #tpu.memory_space<vmem_shared>>)
          tpu.yield
        }) : () -> ()
      } else {
      }
      %barrier3A_17 = arith.constant 0 : index
      tpu.barrier barrier_id(%barrier3A_17)
      %multiple_of3A = arith.constant 0 : i32
      %multiple_of3A_18 = tpu.assume_multiple %multiple_of3A, 80 : i32
      %dma_start3A = arith.constant 0 : i32
      %dma_start3A_19 = arith.constant 0 : i32
      %dma_start3A_20 = arith.constant 0 : i32
      %dma_start3A_21 = tpu.memref_slice %arg10[%dma_start3A, %dma_start3A_19, %dma_start3A_20] : memref<2x80x128xf32, #tpu.memory_space<vmem>> -> memref<1x80x128xf32, #tpu.memory_space<vmem>>
      %dma_start3A_22 = tpu.memref_squeeze %dma_start3A_21 : memref<1x80x128xf32, #tpu.memory_space<vmem>> -> memref<80x128xf32, #tpu.memory_space<vmem>>
      %dma_start3A_23 = tpu.memref_slice %arg8[%multiple_of3A_18] : memref<10000xi32, #tpu.memory_space<vmem>> -> memref<80xi32, #tpu.memory_space<vmem>>
      %dma_start3A_24 = arith.constant 0 : i32
      %dma_start3A_25 = arith.constant 0 : i32
      %dma_start3A_26 = tpu.memref_slice %arg3[%dma_start3A_24, %dma_start3A_25] : memref<10000x128xf32, #tpu.memory_space<hbm>> -> memref<10000x128xf32, #tpu.memory_space<hbm>>
      tpu.enqueue_indirect_dma source(%dma_start3A_26 : memref<10000x128xf32, #tpu.memory_space<hbm>>) target(%dma_start3A_22 : memref<80x128xf32, #tpu.memory_space<vmem>>) offsets(%dma_start3A_23 : memref<80xi32, #tpu.memory_space<vmem>>) semaphore(%arg12 : memref<!tpu.dma_semaphore, #tpu.memory_space<semaphore_mem>>)
      %multiple_of3A_27 = arith.constant 80 : i32
      %multiple_of3A_28 = tpu.assume_multiple %multiple_of3A_27, 80 : i32
      %dma_start3A_29 = arith.constant 1 : i32
      %dma_start3A_30 = arith.constant 0 : i32
      %dma_start3A_31 = arith.constant 0 : i32
      %dma_start3A_32 = tpu.memref_slice %arg10[%dma_start3A_29, %dma_start3A_30, %dma_start3A_31] : memref<2x80x128xf32, #tpu.memory_space<vmem>> -> memref<1x80x128xf32, #tpu.memory_space<vmem>>
      %dma_start3A_33 = tpu.memref_squeeze %dma_start3A_32 : memref<1x80x128xf32, #tpu.memory_space<vmem>> -> memref<80x128xf32, #tpu.memory_space<vmem>>
      %dma_start3A_34 = tpu.memref_slice %arg8[%multiple_of3A_28] : memref<10000xi32, #tpu.memory_space<vmem>> -> memref<80xi32, #tpu.memory_space<vmem>>
      %dma_start3A_35 = arith.constant 0 : i32
      %dma_start3A_36 = arith.constant 0 : i32
      %dma_start3A_37 = tpu.memref_slice %arg3[%dma_start3A_35, %dma_start3A_36] : memref<10000x128xf32, #tpu.memory_space<hbm>> -> memref<10000x128xf32, #tpu.memory_space<hbm>>
      tpu.enqueue_indirect_dma source(%dma_start3A_37 : memref<10000x128xf32, #tpu.memory_space<hbm>>) target(%dma_start3A_33 : memref<80x128xf32, #tpu.memory_space<vmem>>) offsets(%dma_start3A_34 : memref<80xi32, #tpu.memory_space<vmem>>) semaphore(%arg13 : memref<!tpu.dma_semaphore, #tpu.memory_space<semaphore_mem>>)
      %scan3A = arith.constant 0 : i32
      %scan3A_38 = arith.constant 0 : i32
      %scan3A_39 = arith.constant 125 : i32
      %scan3A_40 = arith.addi %scan3A_38, %scan3A_39 : i32
      %scan3A_41 = arith.constant 1 : i32
      scf.for %scan3A_43 = %scan3A_38 to %scan3A_40 step %scan3A_41  : i32 {
        %jit3A = arith.constant 2 : i32
        %eq3A_44 = arith.constant 0 : i32
        %eq3A_45 = arith.cmpi eq, %jit3A, %eq3A_44 : i32
        %jit3A_46 = arith.constant 1 : i32
        %select_n3A = arith.select %eq3A_45, %jit3A_46, %jit3A : i32
        %rem3A = arith.remsi %scan3A_43, %select_n3A : i32
        %ne3A = arith.constant 0 : i32
        %ne3A_47 = arith.cmpi ne, %rem3A, %ne3A : i32
        %lt3A_48 = arith.constant 0 : i32
        %lt3A_49 = arith.cmpi slt, %rem3A, %lt3A_48 : i32
        %lt3A_50 = arith.constant 0 : i32
        %lt3A_51 = arith.cmpi slt, %select_n3A, %lt3A_50 : i32
        %ne3A_52 = arith.xori %lt3A_49, %lt3A_51 : i1
        %and3A = arith.andi %ne3A_52, %ne3A_47 : i1
        %add3A = arith.addi %rem3A, %select_n3A : i32
        %select_n3A_53 = arith.select %and3A, %add3A, %rem3A : i32
        %eq3A_54 = arith.constant 0 : i32
        %eq3A_55 = arith.cmpi eq, %select_n3A_53, %eq3A_54 : i32
        %convert_element_type3A_56 = arith.extui %eq3A_55 : i1 to i32
        %cond3A_57 = arith.constant 0 : i32
        %cond3A_58 = arith.cmpi ne, %convert_element_type3A_56, %cond3A_57 : i32
        scf.if %cond3A_58 {
          %mul3A_80 = arith.constant 80 : i32
          %mul3A_81 = arith.muli %scan3A_43, %mul3A_80 : i32
          %multiple_of3A_82 = tpu.assume_multiple %mul3A_81, 80 : i32
          %dma_wait3A = arith.constant 0 : i32
          %dma_wait3A_83 = arith.constant 0 : i32
          %dma_wait3A_84 = arith.constant 0 : i32
          %dma_wait3A_85 = tpu.memref_slice %arg10[%dma_wait3A, %dma_wait3A_83, %dma_wait3A_84] : memref<2x80x128xf32, #tpu.memory_space<vmem>> -> memref<1x80x128xf32, #tpu.memory_space<vmem>>
          %dma_wait3A_86 = tpu.memref_squeeze %dma_wait3A_85 : memref<1x80x128xf32, #tpu.memory_space<vmem>> -> memref<80x128xf32, #tpu.memory_space<vmem>>
          %dma_wait3A_87 = tpu.memref_slice %arg8[%multiple_of3A_82] : memref<10000xi32, #tpu.memory_space<vmem>> -> memref<80xi32, #tpu.memory_space<vmem>>
          %dma_wait3A_88 = arith.constant 0 : i32
          %dma_wait3A_89 = arith.constant 0 : i32
          %dma_wait3A_90 = tpu.memref_slice %arg3[%dma_wait3A_88, %dma_wait3A_89] : memref<10000x128xf32, #tpu.memory_space<hbm>> -> memref<10000x128xf32, #tpu.memory_space<hbm>>
          tpu.wait_indirect_dma semaphore(%arg12 : memref<!tpu.dma_semaphore, #tpu.memory_space<semaphore_mem>>) src(%dma_wait3A_90 : memref<10000x128xf32, #tpu.memory_space<hbm>>) dst(%dma_wait3A_86 : memref<80x128xf32, #tpu.memory_space<vmem>>)
          %run_scoped3A = arith.constant 0 : i32
          "tpu.region"() ({
            %run_scoped3A_98 = tpu.sem_alloc : memref<!tpu.dma_semaphore, #tpu.memory_space<semaphore_mem>>
            %dma_start3A_99 = arith.constant 0 : i32
            %dma_start3A_100 = arith.constant 0 : i32
            %dma_start3A_101 = tpu.memref_slice %arg10[%run_scoped3A, %dma_start3A_99, %dma_start3A_100] : memref<2x80x128xf32, #tpu.memory_space<vmem>> -> memref<1x80x128xf32, #tpu.memory_space<vmem>>
            %dma_start3A_102 = tpu.memref_squeeze %dma_start3A_101 : memref<1x80x128xf32, #tpu.memory_space<vmem>> -> memref<80x128xf32, #tpu.memory_space<vmem>>
            %dma_start3A_103 = arith.constant 0 : i32
            %dma_start3A_104 = tpu.memref_slice %arg9[%scan3A_43, %dma_start3A_103] : memref<125x80xi32, #tpu.memory_space<vmem>> -> memref<1x80xi32, #tpu.memory_space<vmem>>
            %dma_start3A_105 = tpu.memref_squeeze %dma_start3A_104 : memref<1x80xi32, #tpu.memory_space<vmem>> -> memref<80xi32, #tpu.memory_space<vmem>>
            %dma_start3A_106 = arith.constant 0 : i32
            %dma_start3A_107 = arith.constant 0 : i32
            %dma_start3A_108 = tpu.memref_slice %arg11[%dma_start3A_106, %dma_start3A_107] : memref<10112x128xf32, #tpu.memory_space<vmem_shared>> -> memref<10112x128xf32, #tpu.memory_space<vmem_shared>>
            tpu.enqueue_indirect_dma source(%dma_start3A_102 : memref<80x128xf32, #tpu.memory_space<vmem>>) target(%dma_start3A_108 : memref<10112x128xf32, #tpu.memory_space<vmem_shared>>) offsets(%dma_start3A_105 : memref<80xi32, #tpu.memory_space<vmem>>) semaphore(%run_scoped3A_98 : memref<!tpu.dma_semaphore, #tpu.memory_space<semaphore_mem>>) {add = true}
            %dma_wait3A_109 = arith.constant 0 : i32
            %dma_wait3A_110 = arith.constant 0 : i32
            %dma_wait3A_111 = tpu.memref_slice %arg10[%run_scoped3A, %dma_wait3A_109, %dma_wait3A_110] : memref<2x80x128xf32, #tpu.memory_space<vmem>> -> memref<1x80x128xf32, #tpu.memory_space<vmem>>
            %dma_wait3A_112 = tpu.memref_squeeze %dma_wait3A_111 : memref<1x80x128xf32, #tpu.memory_space<vmem>> -> memref<80x128xf32, #tpu.memory_space<vmem>>
            %dma_wait3A_113 = arith.constant 0 : i32
            %dma_wait3A_114 = tpu.memref_slice %arg9[%scan3A_43, %dma_wait3A_113] : memref<125x80xi32, #tpu.memory_space<vmem>> -> memref<1x80xi32, #tpu.memory_space<vmem>>
            %dma_wait3A_115 = tpu.memref_squeeze %dma_wait3A_114 : memref<1x80xi32, #tpu.memory_space<vmem>> -> memref<80xi32, #tpu.memory_space<vmem>>
            %dma_wait3A_116 = arith.constant 0 : i32
            %dma_wait3A_117 = arith.constant 0 : i32
            %dma_wait3A_118 = tpu.memref_slice %arg11[%dma_wait3A_116, %dma_wait3A_117] : memref<10112x128xf32, #tpu.memory_space<vmem_shared>> -> memref<10112x128xf32, #tpu.memory_space<vmem_shared>>
            tpu.wait_indirect_dma semaphore(%run_scoped3A_98 : memref<!tpu.dma_semaphore, #tpu.memory_space<semaphore_mem>>) src(%dma_wait3A_112 : memref<80x128xf32, #tpu.memory_space<vmem>>) dst(%dma_wait3A_118 : memref<10112x128xf32, #tpu.memory_space<vmem_shared>>)
            tpu.yield
          }) : () -> ()
          %add3A_91 = arith.constant 2 : i32
          %add3A_92 = arith.addi %scan3A_43, %add3A_91 : i32
          %lt3A_93 = arith.constant 125 : i32
          %lt3A_94 = arith.cmpi slt, %add3A_92, %lt3A_93 : i32
          %convert_element_type3A_95 = arith.extui %lt3A_94 : i1 to i32
          %cond3A_96 = arith.constant 0 : i32
          %cond3A_97 = arith.cmpi ne, %convert_element_type3A_95, %cond3A_96 : i32
          scf.if %cond3A_97 {
            %add3A_98 = arith.constant 2 : i32
            %add3A_99 = arith.addi %scan3A_43, %add3A_98 : i32
            %mul3A_100 = arith.constant 80 : i32
            %mul3A_101 = arith.muli %add3A_99, %mul3A_100 : i32
            %multiple_of3A_102 = tpu.assume_multiple %mul3A_101, 80 : i32
            %dma_start3A_103 = arith.constant 0 : i32
            %dma_start3A_104 = arith.constant 0 : i32
            %dma_start3A_105 = arith.constant 0 : i32
            %dma_start3A_106 = tpu.memref_slice %arg10[%dma_start3A_103, %dma_start3A_104, %dma_start3A_105] : memref<2x80x128xf32, #tpu.memory_space<vmem>> -> memref<1x80x128xf32, #tpu.memory_space<vmem>>
            %dma_start3A_107 = tpu.memref_squeeze %dma_start3A_106 : memref<1x80x128xf32, #tpu.memory_space<vmem>> -> memref<80x128xf32, #tpu.memory_space<vmem>>
            %dma_start3A_108 = tpu.memref_slice %arg8[%multiple_of3A_102] : memref<10000xi32, #tpu.memory_space<vmem>> -> memref<80xi32, #tpu.memory_space<vmem>>
            %dma_start3A_109 = arith.constant 0 : i32
            %dma_start3A_110 = arith.constant 0 : i32
            %dma_start3A_111 = tpu.memref_slice %arg3[%dma_start3A_109, %dma_start3A_110] : memref<10000x128xf32, #tpu.memory_space<hbm>> -> memref<10000x128xf32, #tpu.memory_space<hbm>>
            tpu.enqueue_indirect_dma source(%dma_start3A_111 : memref<10000x128xf32, #tpu.memory_space<hbm>>) target(%dma_start3A_107 : memref<80x128xf32, #tpu.memory_space<vmem>>) offsets(%dma_start3A_108 : memref<80xi32, #tpu.memory_space<vmem>>) semaphore(%arg12 : memref<!tpu.dma_semaphore, #tpu.memory_space<semaphore_mem>>)
          } else {
          }
        } else {
        }
        %jit3A_59 = arith.constant 2 : i32
        %eq3A_60 = arith.constant 0 : i32
        %eq3A_61 = arith.cmpi eq, %jit3A_59, %eq3A_60 : i32
        %jit3A_62 = arith.constant 1 : i32
        %select_n3A_63 = arith.select %eq3A_61, %jit3A_62, %jit3A_59 : i32
        %rem3A_64 = arith.remsi %scan3A_43, %select_n3A_63 : i32
        %ne3A_65 = arith.constant 0 : i32
        %ne3A_66 = arith.cmpi ne, %rem3A_64, %ne3A_65 : i32
        %lt3A_67 = arith.constant 0 : i32
        %lt3A_68 = arith.cmpi slt, %rem3A_64, %lt3A_67 : i32
        %lt3A_69 = arith.constant 0 : i32
        %lt3A_70 = arith.cmpi slt, %select_n3A_63, %lt3A_69 : i32
        %ne3A_71 = arith.xori %lt3A_68, %lt3A_70 : i1
        %and3A_72 = arith.andi %ne3A_71, %ne3A_66 : i1
        %add3A_73 = arith.addi %rem3A_64, %select_n3A_63 : i32
        %select_n3A_74 = arith.select %and3A_72, %add3A_73, %rem3A_64 : i32
        %eq3A_75 = arith.constant 1 : i32
        %eq3A_76 = arith.cmpi eq, %select_n3A_74, %eq3A_75 : i32
        %convert_element_type3A_77 = arith.extui %eq3A_76 : i1 to i32
        %cond3A_78 = arith.constant 0 : i32
        %cond3A_79 = arith.cmpi ne, %convert_element_type3A_77, %cond3A_78 : i32
        scf.if %cond3A_79 {
          %mul3A_80 = arith.constant 80 : i32
          %mul3A_81 = arith.muli %scan3A_43, %mul3A_80 : i32
          %multiple_of3A_82 = tpu.assume_multiple %mul3A_81, 80 : i32
          %dma_wait3A = arith.constant 1 : i32
          %dma_wait3A_83 = arith.constant 0 : i32
          %dma_wait3A_84 = arith.constant 0 : i32
          %dma_wait3A_85 = tpu.memref_slice %arg10[%dma_wait3A, %dma_wait3A_83, %dma_wait3A_84] : memref<2x80x128xf32, #tpu.memory_space<vmem>> -> memref<1x80x128xf32, #tpu.memory_space<vmem>>
          %dma_wait3A_86 = tpu.memref_squeeze %dma_wait3A_85 : memref<1x80x128xf32, #tpu.memory_space<vmem>> -> memref<80x128xf32, #tpu.memory_space<vmem>>
          %dma_wait3A_87 = tpu.memref_slice %arg8[%multiple_of3A_82] : memref<10000xi32, #tpu.memory_space<vmem>> -> memref<80xi32, #tpu.memory_space<vmem>>
          %dma_wait3A_88 = arith.constant 0 : i32
          %dma_wait3A_89 = arith.constant 0 : i32
          %dma_wait3A_90 = tpu.memref_slice %arg3[%dma_wait3A_88, %dma_wait3A_89] : memref<10000x128xf32, #tpu.memory_space<hbm>> -> memref<10000x128xf32, #tpu.memory_space<hbm>>
          tpu.wait_indirect_dma semaphore(%arg13 : memref<!tpu.dma_semaphore, #tpu.memory_space<semaphore_mem>>) src(%dma_wait3A_90 : memref<10000x128xf32, #tpu.memory_space<hbm>>) dst(%dma_wait3A_86 : memref<80x128xf32, #tpu.memory_space<vmem>>)
          %run_scoped3A = arith.constant 1 : i32
          "tpu.region"() ({
            %run_scoped3A_98 = tpu.sem_alloc : memref<!tpu.dma_semaphore, #tpu.memory_space<semaphore_mem>>
            %dma_start3A_99 = arith.constant 0 : i32
            %dma_start3A_100 = arith.constant 0 : i32
            %dma_start3A_101 = tpu.memref_slice %arg10[%run_scoped3A, %dma_start3A_99, %dma_start3A_100] : memref<2x80x128xf32, #tpu.memory_space<vmem>> -> memref<1x80x128xf32, #tpu.memory_space<vmem>>
            %dma_start3A_102 = tpu.memref_squeeze %dma_start3A_101 : memref<1x80x128xf32, #tpu.memory_space<vmem>> -> memref<80x128xf32, #tpu.memory_space<vmem>>
            %dma_start3A_103 = arith.constant 0 : i32
            %dma_start3A_104 = tpu.memref_slice %arg9[%scan3A_43, %dma_start3A_103] : memref<125x80xi32, #tpu.memory_space<vmem>> -> memref<1x80xi32, #tpu.memory_space<vmem>>
            %dma_start3A_105 = tpu.memref_squeeze %dma_start3A_104 : memref<1x80xi32, #tpu.memory_space<vmem>> -> memref<80xi32, #tpu.memory_space<vmem>>
            %dma_start3A_106 = arith.constant 0 : i32
            %dma_start3A_107 = arith.constant 0 : i32
            %dma_start3A_108 = tpu.memref_slice %arg11[%dma_start3A_106, %dma_start3A_107] : memref<10112x128xf32, #tpu.memory_space<vmem_shared>> -> memref<10112x128xf32, #tpu.memory_space<vmem_shared>>
            tpu.enqueue_indirect_dma source(%dma_start3A_102 : memref<80x128xf32, #tpu.memory_space<vmem>>) target(%dma_start3A_108 : memref<10112x128xf32, #tpu.memory_space<vmem_shared>>) offsets(%dma_start3A_105 : memref<80xi32, #tpu.memory_space<vmem>>) semaphore(%run_scoped3A_98 : memref<!tpu.dma_semaphore, #tpu.memory_space<semaphore_mem>>) {add = true}
            %dma_wait3A_109 = arith.constant 0 : i32
            %dma_wait3A_110 = arith.constant 0 : i32
            %dma_wait3A_111 = tpu.memref_slice %arg10[%run_scoped3A, %dma_wait3A_109, %dma_wait3A_110] : memref<2x80x128xf32, #tpu.memory_space<vmem>> -> memref<1x80x128xf32, #tpu.memory_space<vmem>>
            %dma_wait3A_112 = tpu.memref_squeeze %dma_wait3A_111 : memref<1x80x128xf32, #tpu.memory_space<vmem>> -> memref<80x128xf32, #tpu.memory_space<vmem>>
            %dma_wait3A_113 = arith.constant 0 : i32
            %dma_wait3A_114 = tpu.memref_slice %arg9[%scan3A_43, %dma_wait3A_113] : memref<125x80xi32, #tpu.memory_space<vmem>> -> memref<1x80xi32, #tpu.memory_space<vmem>>
            %dma_wait3A_115 = tpu.memref_squeeze %dma_wait3A_114 : memref<1x80xi32, #tpu.memory_space<vmem>> -> memref<80xi32, #tpu.memory_space<vmem>>
            %dma_wait3A_116 = arith.constant 0 : i32
            %dma_wait3A_117 = arith.constant 0 : i32
            %dma_wait3A_118 = tpu.memref_slice %arg11[%dma_wait3A_116, %dma_wait3A_117] : memref<10112x128xf32, #tpu.memory_space<vmem_shared>> -> memref<10112x128xf32, #tpu.memory_space<vmem_shared>>
            tpu.wait_indirect_dma semaphore(%run_scoped3A_98 : memref<!tpu.dma_semaphore, #tpu.memory_space<semaphore_mem>>) src(%dma_wait3A_112 : memref<80x128xf32, #tpu.memory_space<vmem>>) dst(%dma_wait3A_118 : memref<10112x128xf32, #tpu.memory_space<vmem_shared>>)
            tpu.yield
          }) : () -> ()
          %add3A_91 = arith.constant 2 : i32
          %add3A_92 = arith.addi %scan3A_43, %add3A_91 : i32
          %lt3A_93 = arith.constant 125 : i32
          %lt3A_94 = arith.cmpi slt, %add3A_92, %lt3A_93 : i32
          %convert_element_type3A_95 = arith.extui %lt3A_94 : i1 to i32
          %cond3A_96 = arith.constant 0 : i32
          %cond3A_97 = arith.cmpi ne, %convert_element_type3A_95, %cond3A_96 : i32
          scf.if %cond3A_97 {
            %add3A_98 = arith.constant 2 : i32
            %add3A_99 = arith.addi %scan3A_43, %add3A_98 : i32
            %mul3A_100 = arith.constant 80 : i32
            %mul3A_101 = arith.muli %add3A_99, %mul3A_100 : i32
            %multiple_of3A_102 = tpu.assume_multiple %mul3A_101, 80 : i32
            %dma_start3A_103 = arith.constant 1 : i32
            %dma_start3A_104 = arith.constant 0 : i32
            %dma_start3A_105 = arith.constant 0 : i32
            %dma_start3A_106 = tpu.memref_slice %arg10[%dma_start3A_103, %dma_start3A_104, %dma_start3A_105] : memref<2x80x128xf32, #tpu.memory_space<vmem>> -> memref<1x80x128xf32, #tpu.memory_space<vmem>>
            %dma_start3A_107 = tpu.memref_squeeze %dma_start3A_106 : memref<1x80x128xf32, #tpu.memory_space<vmem>> -> memref<80x128xf32, #tpu.memory_space<vmem>>
            %dma_start3A_108 = tpu.memref_slice %arg8[%multiple_of3A_102] : memref<10000xi32, #tpu.memory_space<vmem>> -> memref<80xi32, #tpu.memory_space<vmem>>
            %dma_start3A_109 = arith.constant 0 : i32
            %dma_start3A_110 = arith.constant 0 : i32
            %dma_start3A_111 = tpu.memref_slice %arg3[%dma_start3A_109, %dma_start3A_110] : memref<10000x128xf32, #tpu.memory_space<hbm>> -> memref<10000x128xf32, #tpu.memory_space<hbm>>
            tpu.enqueue_indirect_dma source(%dma_start3A_111 : memref<10000x128xf32, #tpu.memory_space<hbm>>) target(%dma_start3A_107 : memref<80x128xf32, #tpu.memory_space<vmem>>) offsets(%dma_start3A_108 : memref<80xi32, #tpu.memory_space<vmem>>) semaphore(%arg13 : memref<!tpu.dma_semaphore, #tpu.memory_space<semaphore_mem>>)
          } else {
          }
        } else {
        }
      }
      %scan3A_42 = arith.constant 125 : i32
    } else {
    }
    %barrier3A = arith.constant 0 : index
    tpu.barrier barrier_id(%barrier3A)
    "tpu.region"() ({
      %run_scoped3A = tpu.sem_alloc : memref<!tpu.dma_semaphore, #tpu.memory_space<semaphore_mem>>
      %dma_start3A = arith.constant 0 : i32
      %dma_start3A_8 = tpu.memref_slice %arg7[%arg0, %mul3A_0, %dma_start3A] : memref<2x10112x128xf32, #tpu.memory_space<hbm>> -> memref<1x632x128xf32, #tpu.memory_space<hbm>>
      %dma_start3A_9 = tpu.memref_squeeze %dma_start3A_8 : memref<1x632x128xf32, #tpu.memory_space<hbm>> -> memref<632x128xf32, #tpu.memory_space<hbm>>
      %dma_start3A_10 = arith.constant 0 : i32
      %dma_start3A_11 = tpu.memref_slice %arg11[%mul3A_0, %dma_start3A_10] : memref<10112x128xf32, #tpu.memory_space<vmem_shared>> -> memref<632x128xf32, #tpu.memory_space<vmem_shared>>
      tpu.enqueue_dma source(%dma_start3A_11 : memref<632x128xf32, #tpu.memory_space<vmem_shared>>) target(%dma_start3A_9 : memref<632x128xf32, #tpu.memory_space<hbm>>) target_semaphore(%run_scoped3A : memref<!tpu.dma_semaphore, #tpu.memory_space<semaphore_mem>>)
      %dma_wait3A = arith.constant 0 : i32
      %dma_wait3A_12 = tpu.memref_slice %arg7[%arg0, %mul3A_0, %dma_wait3A] : memref<2x10112x128xf32, #tpu.memory_space<hbm>> -> memref<1x632x128xf32, #tpu.memory_space<hbm>>
      %dma_wait3A_13 = tpu.memref_squeeze %dma_wait3A_12 : memref<1x632x128xf32, #tpu.memory_space<hbm>> -> memref<632x128xf32, #tpu.memory_space<hbm>>
      %dma_wait3A_14 = arith.constant 0 : i32
      %dma_wait3A_15 = tpu.memref_slice %arg11[%mul3A_0, %dma_wait3A_14] : memref<10112x128xf32, #tpu.memory_space<vmem_shared>> -> memref<632x128xf32, #tpu.memory_space<vmem_shared>>
      tpu.wait_dma2 semaphore(%run_scoped3A : memref<!tpu.dma_semaphore, #tpu.memory_space<semaphore_mem>>) src(%dma_wait3A_15 : memref<632x128xf32, #tpu.memory_space<vmem_shared>>) dst(%dma_wait3A_13 : memref<632x128xf32, #tpu.memory_space<hbm>>)
      tpu.yield
    }) : () -> ()
    return
  }
}

#map = affine_map<(d0, d1) -> (0, 0, 0)>
#map1 = affine_map<(d0, d1) -> (0)>
module attributes {stable_mosaic.version = 14 : i64} {
  func.func @deg_kernel(%arg0: i32, %arg1: i32, %arg2: memref<32x313x16xi32, #tpu.memory_space<hbm>>, %arg3: memref<10112xf32, #tpu.memory_space<hbm>>, %arg4: memref<323584xf32, #tpu.memory_space<hbm>>, %arg5: memref<313x16xi32, #tpu.memory_space<vmem>>, %arg6: memref<10112xf32, #tpu.memory_space<vmem>>) attributes {dimension_semantics = [#tpu.dimension_semantics<core_parallel>, #tpu.dimension_semantics<subcore_parallel>], iteration_bounds = array<i64: 2, 16>, scalar_prefetch = 0 : i64, scratch_operands = 2 : i64, tpu.core_type = #tpu.core_type<sc_vector_subcore>, window_params = [{transform_indices = #map}, {transform_indices = #map1}, {transform_indices = #map1}]} {
    %mul3A = arith.constant 16 : i32
    %mul3A_0 = arith.muli %arg0, %mul3A : i32
    %add3A = arith.addi %mul3A_0, %arg1 : i32
    "tpu.region"() ({
      %run_scoped3A = tpu.sem_alloc : memref<!tpu.dma_semaphore, #tpu.memory_space<semaphore_mem>>
      tpu.enqueue_dma source(%arg3 : memref<10112xf32, #tpu.memory_space<hbm>>) target(%arg6 : memref<10112xf32, #tpu.memory_space<vmem>>) target_semaphore(%run_scoped3A : memref<!tpu.dma_semaphore, #tpu.memory_space<semaphore_mem>>)
      tpu.wait_dma2 semaphore(%run_scoped3A : memref<!tpu.dma_semaphore, #tpu.memory_space<semaphore_mem>>) src(%arg3 : memref<10112xf32, #tpu.memory_space<hbm>>) dst(%arg6 : memref<10112xf32, #tpu.memory_space<vmem>>)
      tpu.yield
    }) : () -> ()
    "tpu.region"() ({
      %run_scoped3A = tpu.sem_alloc : memref<!tpu.dma_semaphore, #tpu.memory_space<semaphore_mem>>
      %dma_start3A = arith.constant 0 : i32
      %dma_start3A_9 = arith.constant 0 : i32
      %dma_start3A_10 = tpu.memref_slice %arg2[%add3A, %dma_start3A, %dma_start3A_9] : memref<32x313x16xi32, #tpu.memory_space<hbm>> -> memref<1x313x16xi32, #tpu.memory_space<hbm>>
      %dma_start3A_11 = tpu.memref_squeeze %dma_start3A_10 : memref<1x313x16xi32, #tpu.memory_space<hbm>> -> memref<313x16xi32, #tpu.memory_space<hbm>>
      %dma_start3A_12 = arith.constant 0 : i32
      %dma_start3A_13 = arith.constant 0 : i32
      %dma_start3A_14 = tpu.memref_slice %arg2[%add3A, %dma_start3A_12, %dma_start3A_13] : memref<32x313x16xi32, #tpu.memory_space<hbm>> -> memref<1x313x16xi32, #tpu.memory_space<hbm>>
      %dma_start3A_15 = tpu.memref_squeeze %dma_start3A_14 : memref<1x313x16xi32, #tpu.memory_space<hbm>> -> memref<313x16xi32, #tpu.memory_space<hbm>>
      tpu.enqueue_dma source(%dma_start3A_15 : memref<313x16xi32, #tpu.memory_space<hbm>>) target(%arg5 : memref<313x16xi32, #tpu.memory_space<vmem>>) target_semaphore(%run_scoped3A : memref<!tpu.dma_semaphore, #tpu.memory_space<semaphore_mem>>)
      %dma_wait3A = arith.constant 0 : i32
      %dma_wait3A_16 = arith.constant 0 : i32
      %dma_wait3A_17 = tpu.memref_slice %arg2[%add3A, %dma_wait3A, %dma_wait3A_16] : memref<32x313x16xi32, #tpu.memory_space<hbm>> -> memref<1x313x16xi32, #tpu.memory_space<hbm>>
      %dma_wait3A_18 = tpu.memref_squeeze %dma_wait3A_17 : memref<1x313x16xi32, #tpu.memory_space<hbm>> -> memref<313x16xi32, #tpu.memory_space<hbm>>
      %dma_wait3A_19 = arith.constant 0 : i32
      %dma_wait3A_20 = arith.constant 0 : i32
      %dma_wait3A_21 = tpu.memref_slice %arg2[%add3A, %dma_wait3A_19, %dma_wait3A_20] : memref<32x313x16xi32, #tpu.memory_space<hbm>> -> memref<1x313x16xi32, #tpu.memory_space<hbm>>
      %dma_wait3A_22 = tpu.memref_squeeze %dma_wait3A_21 : memref<1x313x16xi32, #tpu.memory_space<hbm>> -> memref<313x16xi32, #tpu.memory_space<hbm>>
      tpu.wait_dma2 semaphore(%run_scoped3A : memref<!tpu.dma_semaphore, #tpu.memory_space<semaphore_mem>>) src(%dma_wait3A_22 : memref<313x16xi32, #tpu.memory_space<hbm>>) dst(%arg5 : memref<313x16xi32, #tpu.memory_space<vmem>>)
      tpu.yield
    }) : () -> ()
    %broadcast_in_dim3A = arith.constant 1.000000e+00 : f32
    %broadcast_in_dim3A_1 = vector.broadcast %broadcast_in_dim3A : f32 to vector<16xf32>
    %scan3A = arith.constant 0 : i32
    %scan3A_2 = arith.constant 0 : i32
    %scan3A_3 = arith.constant 313 : i32
    %scan3A_4 = arith.addi %scan3A_2, %scan3A_3 : i32
    %scan3A_5 = arith.constant 1 : i32
    scf.for %scan3A_9 = %scan3A_2 to %scan3A_4 step %scan3A_5  : i32 {
      %get3A = arith.index_cast %scan3A_9 : i32 to index
      %get3A_10 = arith.constant 0 : index
      %get3A_11 = tpu.vector_load %arg5[%get3A, %get3A_10] {strides = array<i32>} : memref<313x16xi32, #tpu.memory_space<vmem>>, vector<16xi32>,
      tpu.vector_store_idx %arg6[%get3A_11], %broadcast_in_dim3A_1 {add = true} : memref<10112xf32, #tpu.memory_space<vmem>>[vector<16xi32>], vector<16xf32>,
    }
    %scan3A_6 = arith.constant 313 : i32
    %mul3A_7 = arith.constant 10112 : i32
    %mul3A_8 = arith.muli %add3A, %mul3A_7 : i32
    "tpu.region"() ({
      %run_scoped3A = tpu.sem_alloc : memref<!tpu.dma_semaphore, #tpu.memory_space<semaphore_mem>>
      %dma_start3A = tpu.memref_slice %arg4[%mul3A_8] : memref<323584xf32, #tpu.memory_space<hbm>> -> memref<10112xf32, #tpu.memory_space<hbm>>
      %dma_start3A_9 = tpu.memref_slice %arg4[%mul3A_8] : memref<323584xf32, #tpu.memory_space<hbm>> -> memref<10112xf32, #tpu.memory_space<hbm>>
      tpu.enqueue_dma source(%arg6 : memref<10112xf32, #tpu.memory_space<vmem>>) target(%dma_start3A_9 : memref<10112xf32, #tpu.memory_space<hbm>>) target_semaphore(%run_scoped3A : memref<!tpu.dma_semaphore, #tpu.memory_space<semaphore_mem>>)
      %dma_wait3A = tpu.memref_slice %arg4[%mul3A_8] : memref<323584xf32, #tpu.memory_space<hbm>> -> memref<10112xf32, #tpu.memory_space<hbm>>
      %dma_wait3A_10 = tpu.memref_slice %arg4[%mul3A_8] : memref<323584xf32, #tpu.memory_space<hbm>> -> memref<10112xf32, #tpu.memory_space<hbm>>
      tpu.wait_dma2 semaphore(%run_scoped3A : memref<!tpu.dma_semaphore, #tpu.memory_space<semaphore_mem>>) src(%arg6 : memref<10112xf32, #tpu.memory_space<vmem>>) dst(%dma_wait3A_10 : memref<10112xf32, #tpu.memory_space<hbm>>)
      tpu.yield
    }) : () -> ()
    return
  }
}

module attributes {stable_mosaic.version = 14 : i64} {
  func.func @mm_body(%arg0: i32, %arg1: memref<1000x512xf32, #tpu.memory_space<vmem>>, %arg2: memref<512x256xf32, #tpu.memory_space<vmem>>, %arg3: memref<1000x32xf32, #tpu.memory_space<vmem>>, %arg4: memref<1000x128xf32, #tpu.memory_space<vmem>>, %arg5: memref<1000x128xf32, #tpu.memory_space<vmem>>) attributes {dimension_semantics = [#tpu.dimension_semantics<arbitrary>], iteration_bounds = array<i64: 10>, scalar_prefetch = 0 : i64, scratch_operands = 0 : i64, tpu.core_type = #tpu.core_type<tc>, window_params = [{transform_indices = @transform_0, window_bounds = array<i64: 1000, 512>}, {pipeline_mode = #tpu.pipeline_mode<synchronous>, transform_indices = @transform_1, window_bounds = array<i64: 512, 256>}, {transform_indices = @transform_2, window_bounds = array<i64: 1000, 32>}, {transform_indices = @transform_3, window_bounds = array<i64: 1000, 128>}, {transform_indices = @transform_4, window_bounds = array<i64: 1000, 128>}]} {
    %get3A = arith.constant 0 : index
    %get3A_0 = arith.constant 0 : index
    %get3A_1 = vector.load %arg3[%get3A, %get3A_0] : memref<1000x32xf32, #tpu.memory_space<vmem>>, vector<1000x32xf32>
    %reduce_sum3A = arith.constant dense<0.000000e+00> : vector<1000xf32>
    %reduce_sum3A_2 = vector.multi_reduction <add>, %get3A_1, %reduce_sum3A [1] : vector<1000x32xf32> to vector<1000xf32>
    %add3A = arith.constant 1.000000e+00 : f32
    %add3A_3 = vector.broadcast %add3A : f32 to vector<1000xf32>
    %add3A_4 = arith.addf %add3A_3, %reduce_sum3A_2 : vector<1000xf32>
    %rsqrt3A = math.rsqrt %add3A_4 : vector<1000xf32>
    %broadcast_in_dim3A = vector.shape_cast %rsqrt3A : vector<1000xf32> to vector<1000x1xf32>
    %get3A_5 = arith.constant 0 : index
    %get3A_6 = arith.constant 0 : index
    %get3A_7 = vector.load %arg1[%get3A_5, %get3A_6] : memref<1000x512xf32, #tpu.memory_space<vmem>>, vector<1000x512xf32>
    %get3A_8 = arith.constant 0 : index
    %get3A_9 = arith.constant 0 : index
    %get3A_10 = vector.load %arg2[%get3A_8, %get3A_9] : memref<512x256xf32, #tpu.memory_space<vmem>>, vector<512x256xf32>
    %dot_general3A = arith.constant dense<0.000000e+00> : vector<1000x256xf32>
    %dot_general3A_11 = tpu.matmul %get3A_7, %get3A_10, %dot_general3A {dimension_numbers = #tpu.dot_dimension_numbers<[1], [0], [0], [1], [0, 0, 1, 1], [], []>, transpose_lhs_hint = false} : vector<1000x512xf32>, vector<512x256xf32>, vector<1000x256xf32> -> vector<1000x256xf32>
    %mul3A = vector.broadcast %broadcast_in_dim3A : vector<1000x1xf32> to vector<1000x256xf32>
    %mul3A_12 = arith.mulf %dot_general3A_11, %mul3A : vector<1000x256xf32>
    %slice3A = vector.extract_strided_slice %mul3A_12 {offsets = [0, 0], sizes = [1000, 128], strides = [1, 1]} : vector<1000x256xf32> to vector<1000x128xf32>
    %swap3A = arith.constant 0 : index
    %swap3A_13 = arith.constant 0 : index
    %swap3A_14 = vector.load %arg4[%swap3A, %swap3A_13] : memref<1000x128xf32, #tpu.memory_space<vmem>>, vector<1000x128xf32>
    tpu.vector_store %arg4[%swap3A, %swap3A_13], %slice3A {strides = array<i32>} : memref<1000x128xf32, #tpu.memory_space<vmem>>, vector<1000x128xf32>,
    %slice3A_15 = vector.extract_strided_slice %mul3A_12 {offsets = [0, 128], sizes = [1000, 128], strides = [1, 1]} : vector<1000x256xf32> to vector<1000x128xf32>
    %swap3A_16 = arith.constant 0 : index
    %swap3A_17 = arith.constant 0 : index
    %swap3A_18 = vector.load %arg5[%swap3A_16, %swap3A_17] : memref<1000x128xf32, #tpu.memory_space<vmem>>, vector<1000x128xf32>
    tpu.vector_store %arg5[%swap3A_16, %swap3A_17], %slice3A_15 {strides = array<i32>} : memref<1000x128xf32, #tpu.memory_space<vmem>>, vector<1000x128xf32>,
    return
  }
  func.func @transform_0(%arg0: i32) -> (i32, i32) {
    %c0_i32 = arith.constant 0 : i32
    %c0_i32_0 = arith.constant 0 : i32
    return %arg0, %c0_i32 : i32, i32
  }
  func.func @transform_1(%arg0: i32) -> (i32, i32) {
    %c0_i32 = arith.constant 0 : i32
    %c0_i32_0 = arith.constant 0 : i32
    %c0_i32_1 = arith.constant 0 : i32
    return %c0_i32, %c0_i32_0 : i32, i32
  }
  func.func @transform_2(%arg0: i32) -> (i32, i32) {
    %c0_i32 = arith.constant 0 : i32
    %c0_i32_0 = arith.constant 0 : i32
    return %arg0, %c0_i32 : i32, i32
  }
  func.func @transform_3(%arg0: i32) -> (i32, i32) {
    %c0_i32 = arith.constant 0 : i32
    %c0_i32_0 = arith.constant 0 : i32
    return %arg0, %c0_i32 : i32, i32
  }
  func.func @transform_4(%arg0: i32) -> (i32, i32) {
    %c0_i32 = arith.constant 0 : i32
    %c0_i32_0 = arith.constant 0 : i32
    return %arg0, %c0_i32 : i32, i32
  }
}

module attributes {stable_mosaic.version = 14 : i64} {
  func.func @fin_body(%arg0: i32, %arg1: memref<1000x128xf32, #tpu.memory_space<vmem>>, %arg2: memref<1000x128xf32, #tpu.memory_space<vmem>>, %arg3: memref<1000x32xf32, #tpu.memory_space<vmem>>, %arg4: memref<1x256xf32, #tpu.memory_space<vmem>>, %arg5: memref<1x1xf32, #tpu.memory_space<smem>>, %arg6: memref<1000x256xf32, #tpu.memory_space<vmem>>) attributes {dimension_semantics = [#tpu.dimension_semantics<arbitrary>], iteration_bounds = array<i64: 10>, scalar_prefetch = 0 : i64, scratch_operands = 0 : i64, tpu.core_type = #tpu.core_type<tc>, window_params = [{transform_indices = @transform_0, window_bounds = array<i64: 1000, 128>}, {transform_indices = @transform_1, window_bounds = array<i64: 1000, 128>}, {transform_indices = @transform_2, window_bounds = array<i64: 1000, 32>}, {pipeline_mode = #tpu.pipeline_mode<synchronous>, transform_indices = @transform_3, window_bounds = array<i64: 1, 256>}, {transform_indices = @transform_4, window_bounds = array<i64: 1, 1>}, {transform_indices = @transform_5, window_bounds = array<i64: 1000, 256>}]} {
    %get3A = arith.constant 0 : index
    %get3A_0 = arith.constant 0 : index
    %get3A_1 = vector.load %arg3[%get3A, %get3A_0] : memref<1000x32xf32, #tpu.memory_space<vmem>>, vector<1000x32xf32>
    %reduce_sum3A = arith.constant dense<0.000000e+00> : vector<1000xf32>
    %reduce_sum3A_2 = vector.multi_reduction <add>, %get3A_1, %reduce_sum3A [1] : vector<1000x32xf32> to vector<1000xf32>
    %add3A = arith.constant 1.000000e+00 : f32
    %add3A_3 = vector.broadcast %add3A : f32 to vector<1000xf32>
    %add3A_4 = arith.addf %add3A_3, %reduce_sum3A_2 : vector<1000xf32>
    %rsqrt3A = math.rsqrt %add3A_4 : vector<1000xf32>
    %broadcast_in_dim3A = vector.shape_cast %rsqrt3A : vector<1000xf32> to vector<1000x1xf32>
    %get3A_5 = arith.constant 0 : index
    %get3A_6 = arith.constant 0 : index
    %get3A_7 = vector.load %arg1[%get3A_5, %get3A_6] : memref<1000x128xf32, #tpu.memory_space<vmem>>, vector<1000x128xf32>
    %get3A_8 = arith.constant 0 : index
    %get3A_9 = arith.constant 0 : index
    %get3A_10 = vector.load %arg2[%get3A_8, %get3A_9] : memref<1000x128xf32, #tpu.memory_space<vmem>>, vector<1000x128xf32>
    %concatenate3A = tpu.concatenate %get3A_7, %get3A_10 in 1 : vector<1000x128xf32>, vector<1000x128xf32> -> vector<1000x256xf32>
    %mul3A = vector.broadcast %broadcast_in_dim3A : vector<1000x1xf32> to vector<1000x256xf32>
    %mul3A_11 = arith.mulf %mul3A, %concatenate3A : vector<1000x256xf32>
    %get3A_12 = arith.constant 0 : index
    %get3A_13 = arith.constant 0 : index
    %get3A_14 = vector.load %arg4[%get3A_12, %get3A_13] : memref<1x256xf32, #tpu.memory_space<vmem>>, vector<1x256xf32>
    %add3A_15 = vector.broadcast %get3A_14 : vector<1x256xf32> to vector<1000x256xf32>
    %add3A_16 = arith.addf %mul3A_11, %add3A_15 : vector<1000x256xf32>
    %get3A_17 = arith.constant 0 : index
    %get3A_18 = arith.constant 0 : index
    %get3A_19 = memref.load %arg5[%get3A_17, %get3A_18] : memref<1x1xf32, #tpu.memory_space<smem>>
    %ge3A = arith.constant 0.000000e+00 : f32
    %ge3A_20 = vector.broadcast %ge3A : f32 to vector<1000x256xf32>
    %ge3A_21 = arith.cmpf oge, %add3A_16, %ge3A_20 : vector<1000x256xf32>
    %mul3A_22 = vector.broadcast %get3A_19 : f32 to vector<1000x256xf32>
    %mul3A_23 = arith.mulf %mul3A_22, %add3A_16 : vector<1000x256xf32>
    %select_n3A = arith.select %ge3A_21, %add3A_16, %mul3A_23 : vector<1000x256xi1>, vector<1000x256xf32>
    %swap3A = arith.constant 0 : index
    %swap3A_24 = arith.constant 0 : index
    %swap3A_25 = vector.load %arg6[%swap3A, %swap3A_24] : memref<1000x256xf32, #tpu.memory_space<vmem>>, vector<1000x256xf32>
    tpu.vector_store %arg6[%swap3A, %swap3A_24], %select_n3A {strides = array<i32>} : memref<1000x256xf32, #tpu.memory_space<vmem>>, vector<1000x256xf32>,
    return
  }
  func.func @transform_0(%arg0: i32) -> (i32, i32) {
    %c0_i32 = arith.constant 0 : i32
    %c0_i32_0 = arith.constant 0 : i32
    return %arg0, %c0_i32 : i32, i32
  }
  func.func @transform_1(%arg0: i32) -> (i32, i32) {
    %c0_i32 = arith.constant 0 : i32
    %c0_i32_0 = arith.constant 0 : i32
    return %arg0, %c0_i32 : i32, i32
  }
  func.func @transform_2(%arg0: i32) -> (i32, i32) {
    %c0_i32 = arith.constant 0 : i32
    %c0_i32_0 = arith.constant 0 : i32
    return %arg0, %c0_i32 : i32, i32
  }
  func.func @transform_3(%arg0: i32) -> (i32, i32) {
    %c0_i32 = arith.constant 0 : i32
    %c0_i32_0 = arith.constant 0 : i32
    %c0_i32_1 = arith.constant 0 : i32
    return %c0_i32, %c0_i32_0 : i32, i32
  }
  func.func @transform_4(%arg0: i32) -> (i32, i32) {
    %c0_i32 = arith.constant 0 : i32
    %c0_i32_0 = arith.constant 0 : i32
    %c0_i32_1 = arith.constant 0 : i32
    return %c0_i32, %c0_i32_0 : i32, i32
  }
  func.func @transform_5(%arg0: i32) -> (i32, i32) {
    %c0_i32 = arith.constant 0 : i32
    %c0_i32_0 = arith.constant 0 : i32
    return %arg0, %c0_i32 : i32, i32
  }
}

</mosaic_0001>

<sc_bundles>
// kernel: kernel.6.cloned.1.call-start
scs
__scs_entry_jumppad:
0x0: {  	(pc) =	sbr.rel $0x88, $3  }
0x1: {  	(tag) =	ssettag $0x0;
	lr =	simm.s32 $0x1  }
0x2: {  	[smem:$0x3F9C] =	sst lr;
	_ =	strace $0xD0000000  }
0x3: {  	_ = 	snop  }
0x4: {  	_ = 	snop  }
0x5: {  	_ = 	snop  }
0x6: {  	_ = 	snop  }
0x7: {  	_ = 	snop  }
__scs_overlays_trampoline_lowered:
0x8: {  	[smem:$0x3FAB] =	sst s0  }
0x9: {  	[smem:$0x3FAC] =	sst s1  }
0xa: {  	[smem:$0x3FAD] =	sst s2  }
0xb: {  	[smem:$0x3FAE] =	sst s3  }
0xc: {  	[smem:$0x3FAF] =	sst s4  }
0xd: {  	[smem:$0x3FB0] =	sst s5  }
0xe: {  	[smem:$0x3FB1] =	sst s6  }
0xf: {  	[smem:$0x3FB2] =	sst s7  }
0x10: {  	[smem:$0x3FB3] =	sst s8  }
0x11: {  	[smem:$0x3FB4] =	sst s9;
	s0 =	simm.s32 @!p0 $0x0  }
0x12: {  	s1 =	sld [smem:$0x3F9A];
	s0 =	simm.s32 @p0 $0x1  }
0x13: {  	[smem:$0x3FB5] =	sst s0;
	s0 =	simm.s32 @!p1 $0x0  }
0x14: {  	s2 =	sld [smem:$0x3F99];
	s0 =	simm.s32 @p1 $0x1  }
0x15: {  	[smem:$0x3FB6] =	sst s0;
	s0 =	simm.s32 @!p2 $0x0  }
0x16: {  	s3 =	sld [smem:$0x3FDB];
	s0 =	simm.s32 @p2 $0x1  }
0x17: {  	s4 =	simm.s32 $0x1BF5;
	[smem:$0x3FB8] =	sst s0  }
0x18: {  	s0 =	sld [smem:$0x3F9B];
	_ =	swait.ge [sflag:s4], $0x0  }
0x19: {  	s7 =	sld [smem:$0x3F9C]  }
0x1a: {  	s8 =	sadd.s32 $0xFFFFE003, lr  }
0x1b: {  	s9 =	sadd.s32 $0xFFFFFEF7, lr;
	s5 =	simm.s32 $0xFFFFFFFF;
	p2 =	slt.u32 s8, $0xFFFFF086  }
0x1c: {  	p1 =	slt.u32 s9, $0xF7A;
	s5 =	simm.s32 @!p2 $0x0  }
0x1d: {  	s5 =	simm.s32 @p1 $0x1;
	p0 =	seq.s32 s7, s2  }
0x1e: {  	s7 =	smul.u32 @!p0 $0xF7A, s2;
	p2 =	seq.s32 @!p0 s5, $0x0  }
0x1f: {  	s9 =	smul.u32 $0xF7A, s1;
	s8 =	simm.s32 @!p0 $0x1BF5;
	p2 =	por !p2, p0  }
0x20: {  	[sflag:s8] =	ssyncset.s32 @!p0 $0xFFFFF086;
	s6 =	sadd.s32 @!p0 s3, s7;
	s7 =	simm.s32 @!p0 $0x108  }
0x21: {  	s3 =	sadd.s32 s3, s9;
	s6 =	sadd.s32 @!p0 $0x88, s6;
	s7 =	simm.s32 @p2 $0x1082  }
0x22: {  	[simem:s7], [sflag:s8] =	dma.local @!p0 [hbm:s6], $0xF7A  }
0x23: {  	s9 =	sor.u32 $0xD0000000, s2;
	s6 =	simm.s32 $0x108;
	_ =	swait.ge @!p0 [sflag:s8], $0x0  }
0x24: {  	s3 =	sadd.s32 $0x88, s3;
	s6 =	simm.s32 @!p1 $0x1082;
	[sflag:s4] =	ssyncset.s32 $0xFFFFF086  }
0x25: {  	[simem:s6], [sflag:s4] =	dma.local [hbm:s3], $0xF7A  }
0x26: {  	[smem:$0x3F9C] =	sst s1;
	(tag) =	ssettag s2;
	_ =	strace s9  }
0x27: {  	s1 =	sld [smem:$0x3FAC]  }
0x28: {  	s2 =	sld [smem:$0x3FAD]  }
0x29: {  	s4 =	sld [smem:$0x3FAF]  }
0x2a: {  	p0 =	seq.s32 s5, $0x0;
	s5 =	sld [smem:$0x3FB0]  }
0x2b: {  	s6 =	sld [smem:$0x3FB1]  }
0x2c: {  	s7 =	sld [smem:$0x3FB2]  }
0x2d: {  	s3 =	simm.s32 $0x108;
	s8 =	sld [smem:$0x3FB3]  }
0x2e: {  	s3 =	simm.s32 @!p0 $0x1082;
	s9 =	sld [smem:$0x3FB4]  }
0x2f: {  	lr =	sadd.s32 s0, s3;
	s0 =	sld [smem:$0x3FAB]  }
0x30: {  	s3 =	sld [smem:$0x3FAE]  }
0x31: {  	[smem:$0x3FB7] =	sst s10  }
0x32: {  	s10 =	sld [smem:$0x3FB5];
	_ =	sdelay $0x3  }
0x33: {  	p0 =	seq.s32 s10, $0x1;
	s10 =	sld [smem:$0x3FB7];
	_ =	sdelay $0x3  }
0x34: {  	[smem:$0x3FB7] =	sst s10  }
0x35: {  	s10 =	sld [smem:$0x3FB6];
	_ =	sdelay $0x3  }
0x36: {  	p1 =	seq.s32 s10, $0x1;
	s10 =	sld [smem:$0x3FB7];
	_ =	sdelay $0x3  }
0x37: {  	[smem:$0x3FB7] =	sst s10  }
0x38: {  	s10 =	sld [smem:$0x3FB8]  }
0x39: {  	_ = 	snop;
	(pc) =	sbr.ind lr, $3  }
0x3a: {  	_ = 	snop  }
0x3b: {  	_ = 	snop  }
0x3c: {  	p2 =	seq.s32 s10, $0x1;
	s10 =	sld [smem:$0x3FB7]  }
0x3d: {  	_ =	shalt  }
0x3e: {  	_ =	shalt  }
0x3f: {  	_ =	shalt  }
0x40: {  	_ =	shalt  }
0x41: {  	_ =	shalt  }
0x42: {  	_ =	shalt  }
0x43: {  	_ =	shalt  }
0x44: {  	_ =	shalt  }
0x45: {  	_ =	shalt  }
0x46: {  	_ =	shalt  }
0x47: {  	_ =	shalt  }
0x48: {  	_ =	shalt  }
0x49: {  	_ =	shalt  }
0x4a: {  	_ =	shalt  }
0x4b: {  	_ =	shalt  }
0x4c: {  	_ =	shalt  }
0x4d: {  	_ =	shalt  }
0x4e: {  	_ =	shalt  }
0x4f: {  	_ =	shalt  }
0x50: {  	_ =	shalt  }
0x51: {  	_ =	shalt  }
0x52: {  	_ =	shalt  }
0x53: {  	_ =	shalt  }
0x54: {  	_ =	shalt  }
0x55: {  	_ =	shalt  }
0x56: {  	_ =	shalt  }
0x57: {  	_ =	shalt  }
0x58: {  	_ =	shalt  }
0x59: {  	_ =	shalt  }
0x5a: {  	_ =	shalt  }
0x5b: {  	_ =	shalt  }
0x5c: {  	_ =	shalt  }
0x5d: {  	_ =	shalt  }
0x5e: {  	_ =	shalt  }
0x5f: {  	_ =	shalt  }
0x60: {  	_ =	shalt  }
0x61: {  	_ =	shalt  }
0x62: {  	_ =	shalt  }
0x63: {  	_ =	shalt  }
0x64: {  	_ =	shalt  }
0x65: {  	_ =	shalt  }
0x66: {  	_ =	shalt  }
0x67: {  	_ =	shalt  }
0x68: {  	_ =	shalt  }
0x69: {  	_ =	shalt  }
0x6a: {  	_ =	shalt  }
0x6b: {  	_ =	shalt  }
0x6c: {  	_ =	shalt  }
0x6d: {  	_ =	shalt  }
0x6e: {  	_ =	shalt  }
0x6f: {  	_ =	shalt  }
0x70: {  	_ =	shalt  }
0x71: {  	_ =	shalt  }
0x72: {  	_ =	shalt  }
0x73: {  	_ =	shalt  }
0x74: {  	_ =	shalt  }
0x75: {  	_ =	shalt  }
0x76: {  	_ =	shalt  }
0x77: {  	_ =	shalt  }
0x78: {  	_ =	shalt  }
0x79: {  	_ =	shalt  }
0x7a: {  	_ =	shalt  }
0x7b: {  	_ =	shalt  }
0x7c: {  	_ =	shalt  }
0x7d: {  	_ =	shalt  }
0x7e: {  	_ =	shalt  }
0x7f: {  	_ =	shalt  }
0x80: {  	_ =	shalt  }
0x81: {  	_ =	shalt  }
0x82: {  	_ =	shalt  }
0x83: {  	_ =	shalt  }
0x84: {  	_ =	shalt  }
0x85: {  	_ =	shalt  }
0x86: {  	_ =	shalt  }
0x87: {  	_ =	shalt  }
.Lfunc_end0:
.L_simem_size_0:
called_computation_lowered:
.L_overlay_start_0:
0x88: {  	s2 =	sld [smem:$0x3FD9]  }
0x89: {  	s3 =	sld [smem:$0x3FFE];
	_ =	sdelay $0x1  }
0x8a: {  	s1 =	srdreg.scid  }
0x8b: {  	s0 =	sand.u32 $0x1, s1  }
0x8c: {  	s17 =	sshll.u32 s0, $0xA;
	s2 =	sadd.s32 s3, s2  }
0x8d: {  	s2 =	sadd.s32 s2, s17  }
0x8e: {  	[smem:$0x3FC3] =	sst s2  }
0x8f: {  	_ = 	snop  }
0x90: {  	s2 =	sld [smem:$0x3FD0];
	(tm) =	ssettm $0x1  }
0x91: {  	s18 =	sld [smem:$0x3FFB];
	_ =	sdelay $0x3  }
0x92: {  	_ =	strace s18  }
0x93: {  	s3 =	sld [smem:$0x3FFC];
	_ =	sdelay $0x3  }
0x94: {  	_ =	strace s3  }
0x95: {  	s3 =	sld [smem:$0x3FFD];
	_ =	sdelay $0x3  }
0x96: {  	_ =	strace s3  }
0x97: {  	_ =	strace $0x8FFFFFFF  }
0x98: {  	s19 =	sld [smem:$0x3FDB];
	_ =	sdelay $0x1  }
0x99: {  	s4 =	simm.s32 $_scs_section_size  }
0x9a: {  	s5 =	simm.s32 $_size__tile_overlayer_lowered;
	s6 =	simm.s32 $_tile_overlayer_lowered  }
0x9b: {  	s22 =	simm.s32 $0x1BFF;
	s21 =	sshll.u32 s6, $0x1;
	s3 =	sadd.s32 s4, s19  }
0x9c: {  	s7 =	simm.s32 $0x0;
	s20 =	sshll.u32 s5, $0x1;
	s5 =	sadd.s32 s21, s3  }
0x9d: {  	[timem:s7], [sflag:s22] =	dma.local [hbm:s5], s20  }
0x9e: {  	_ =	swait.ge [sflag:s22], s20  }
0x9f: {  	s4 =	ssub.s32 $0x0, s20;
	[sflag:s22] =	ssyncset.done $0x0  }
0xa0: {  	[sflag:s22] =	ssyncadd.s32 s4;
	_ =	sdelay $0x1  }
0xa1: {  	s23 =	simm.s32 $0x1B8B  }
0xa2: {  	_ =	swait.ge [sflag:s23], $0x1  }
0xa3: {  	[sflag:s23] =	ssyncset.done $0x0  }
0xa4: {  	s25 =	simm.s32 $0x1B8E;
	s24 =	sld [smem:$0x3FFE];
	[sflag:s23] =	ssyncadd.s32 $0xFFFFFFFF  }
0xa5: {  	s26 =	simm.s32 $execute0_lowered;
	[smem:$0x3FD2] =	sst s25  }
0xa6: {  	s5 =	sshll.u32 s26, $0x1;
	_ =	strace $0x80000046;
	[dreg:$0x1] =	wrdreg $0xFFFFFFFF  }
0xa7: {  	s28 =	simm.s32 $_size_execute0_lowered;
	s3 =	sadd.s32 s3, s5;
	[dreg:$0x0] =	wrdreg $0x0  }
0xa8: {  	s5 =	sshll.u32 s28, $0x1;
	[dreg:$0x2] =	wrdreg s3  }
0xa9: {  	[dreg:$0x3] =	wrdreg s5  }
0xaa: {  	[dreg:$0x4] =	wrdreg $0xC0  }
0xab: {  	_ =	task [dreg:s7], $0x5FFFF  }
0xac: {  	[dreg:$0x1] =	wrdreg $0xFFFFFFFF  }
0xad: {  	[dreg:$0x0] =	wrdreg $0x60  }
0xae: {  	[dreg:$0x2] =	wrdreg s2  }
0xaf: {  	[dreg:$0x3] =	wrdreg s24  }
0xb0: {  	[dreg:$0x4] =	wrdreg $0x9  }
0xb1: {  	_ =	task.clear_ibuf [dreg:s7], $0x5FFFF;
	_ =	strace $0x90000046  }
0xb2: {  	s29 =	simm.s32 $0x9;
	_ =	strace $0x80000048  }
0xb3: {  	_ =	swait.ge [sflag:s29], $0x1  }
0xb4: {  	[sflag:s29] =	ssyncadd.s32 $0xFFFFFFFF  }
0xb5: {  	_ =	strace $0x90000048  }
0xb6: {  	_ =	sfence  }
0xb7: {  	s30 =	sld [smem:$0x0];
	_ =	sdelay $0x2  }
0xb8: {  	s31 =	sshll.u32 s1, $0xD;
	s1 =	sshrl.u32 s1, $0x2  }
0xb9: {  	s3 =	sand.u32 $0x4000, s31;
	s1 =	sadd.s32 s1, s30  }
0xba: {  	s0 =	sor.u32 s3, s0;
	s1 =	sshll.u32 s1, $0x11  }
0xbb: {  	s0 =	sor.u32 s1, s0  }
0xbc: {  	s0 =	sadd.s32 $0x8F2B, s0  }
0xbd: {  	[sflag:s0] =	ssyncadd.remote.s32 $0x1  }
0xbe: {  	_ =	sfence.sel $0xFFFF  }
0xbf: {  	[dreg:$0x0] =	wrdreg $0xFFFFFFFF;
	(pc) =	sbr.abs _section_cstart, $3  }
0xc0: {  	[dreg:$0x1] =	wrdreg $0xFFFFFFFF  }
0xc1: {  	_ =	task.clear_ibuf [dreg:s7], $0x2FFFF;
	_ =	strace $0x9FFFFFFF  }
0xc2: {  	(tm) =	ssettm $0x7FFFFFFF  }
0xc3: {  	_ =	shalt  }
tec
execute0_lowered:
.L_overlay_start_1:
0x0: {  	(tag) =	ssettag $0x1  }
0x1: {  	s0 =	srdreg.scid  }
0x2: {  	s4 =	rddreg [dreg:$0x0];
	s3 =	sand.u32 $0x1, s0  }
0x3: {  	s5 =	rddreg [dreg:$0x1];
	s1 =	stileid.u32;
	s6 =	sshll.u32 s3, $0x4  }
0x4: {  	s2 =	simm.s32 $0x0;
	s0 =	rddreg [dreg:$0x2];
	s6 =	sor.u32 s1, s6  }
0x5: {  	[smem:$0x7FF] =	sst s2;
	s8 =	ssub.s32 $0x2, s3;
	s7 =	smul.u32 $0x4F0, s6  }
0x6: {  	_ =	strace $0x80000047;
	s9 =	sshrl.u32 s8, $0x1;
	s6 =	smul.u32 $0x1400, s6  }
0x7: {  	s3 =	sadd.s32 $0xC00, s5;
	s31 =	ssub.s32 s8, s9;
	s8 =	simm.s32 $0x1  }
0x8: {  	s9 =	simm.s32 $0x0;
	s5 =	sadd.s32 s7, s5;
	s4 =	sadd.s32 s4, s6  }
0x9: {  	v0 =	vimm.f32 $1.000000000e+00;
	s6 =	smax.u32 s31, $0x1;
	s7 =	simm.s32 $0xA000;
	s5 =	sadd.s32 $0x1200, s5  }
.LBB2_1:
0xa: {  	[tilespmem:s7], [sflag:$0x1] =	stream.linear.gather [hbm4b:s3+s2], $0x2780, $0x38;
	[tilespmem:$0xC780] =	vst v63  }
0xb: {  	_ =	swait.ge [sflag:s8], $0x2780  }
0xc: {  	[sflag:s8] =	ssyncset.done $0x0  }
0xd: {  	[sflag:s8] =	ssyncadd.s32 $0xFFFFD880  }
0xe: {  	[tilespmem:s2], [sflag:$0x1] =	stream.linear.gather [hbm4b:s4+s2], $0x9C80, $0x38;
	[tilespmem:$0xC780] =	vst v63  }
0xf: {  	_ =	swait.ge [sflag:s8], $0x9C80  }
0x10: {  	[sflag:s8] =	ssyncset.done $0x0  }
0x11: {  	s11 =	simm.s32 $0x0;
	s10 =	simm.s32 $0x200;
	[sflag:s8] =	ssyncadd.s32 $0xFFFF6380  }
.LBB2_2:
0x12: {  	p0 =	sne.s32 s10, $0x27000;
	v1 =	vld [tilespmem:s11+$0x0];
	_ =	sdelay $0x3  }
.Ltmp0:
0x13: {  	(pc) =	sbr.rel @p0 .LBB2_2-.Ltmp0, $2  }
0x14: {  	_ =	sdelay $0x2  }
0x15: {  	s11 =	sshra.s32 s10, $0x2;
	s10 =	sadd.s32 $0x200, s10;
	[tilespmem:v1+s7+$0x0] =	vst.idx.add.f32.msk $0xffff, v0  }
0x16: {  	v1 =	vld [tilespmem:s11+$0x0];
	_ =	sdelay $0x5  }
0x17: {  	s9 =	sadd.s32 $0x1, s9  }
0x18: {  	p0 =	sne.s32 s9, s6  }
.Ltmp1:
0x19: {  	[tilespmem:v1+s7+$0x0] =	vst.idx.add.f32.msk $0xffff, v0;
	(pc) =	sbr.rel @p0 .LBB2_1-.Ltmp1, $4  }
0x1a: {  	[hbm4b:s5+s2] =	stream.linear.scatter [tilespmem:s7], [sflag:$0x1], $0x2780, $0x38;
	[tilespmem:$0xC780] =	vst v63  }
0x1b: {  	_ =	swait.ge [sflag:s8], $0x2780  }
0x1c: {  	[sflag:s8] =	ssyncset.done $0x0  }
0x1d: {  	[sflag:s8] =	ssyncadd.s32 $0xFFFFD880  }
0x1e: {  	_ =	sfence.sel $0x180000  }
0x1f: {  	[bflag:$0x0] =	sbarrier.arrive $0xFFFF  }
0x20: {  	p0 =	sne.s32 s1, $0x0;
	_ =	strace $0x90000047  }
0x21: {  	s0 =	sadd.s32 @!p0 $0x100000, s0;
	[bflag:$0x2] =	sbarrier.arrive $0xFFFF  }
0x22: {  	[sflag:s0] =	ssyncadd.tile.s32 @!p0 $0x1;
	_ =	shalt  }
.Lfunc_end2:
_tile_overlayer_lowered:
.L_overlay_start_2:
0x23: {  	(tag) =	ssettag $0x2  }
0x24: {  	s0 =	rddreg [dreg:$0x0];
	s2 =	stileid.u32  }
0x25: {  	s1 =	rddreg [dreg:$0x1];
	p0 =	sne.s32 s2, $0x0  }
0x26: {  	s3 =	rddreg [dreg:$0x2];
	[bflag:$0x3] =	sbarrier.arrive $0xFFFF;
	s2 =	simm.s32 @!p0 $0x1C01  }
0x27: {  	[timem:s3], [sflag:s2] =	dma.local @!p0 [hbm:s0], s1  }
0x28: {  	s0 =	simm.s32 @!p0 $0x1  }
0x29: {  	_ =	swait.ge @!p0 [sflag:s0], s1  }
0x2a: {  	s1 =	ssub.s32 @!p0 $0x0, s1;
	[sflag:s0] =	ssyncset.done @!p0 $0x0  }
0x2b: {  	[sflag:s0] =	ssyncadd.s32 @!p0 s1  }
0x2c: {  	[bflag:$0x3] =	sbarrier.arrive $0xFFFF  }
0x2d: {  	_ =	shalt  }

// kernel: kernel.9.cloned.1.call-start
scs
__scs_entry_jumppad:
0x0: {  	(pc) =	sbr.rel $0x88, $3  }
0x1: {  	(tag) =	ssettag $0x0;
	lr =	simm.s32 $0x1  }
0x2: {  	[smem:$0x3F9C] =	sst lr;
	_ =	strace $0xD0000000  }
0x3: {  	_ = 	snop  }
0x4: {  	_ = 	snop  }
0x5: {  	_ = 	snop  }
0x6: {  	_ = 	snop  }
0x7: {  	_ = 	snop  }
__scs_overlays_trampoline_lowered:
0x8: {  	[smem:$0x3FAB] =	sst s0  }
0x9: {  	[smem:$0x3FAC] =	sst s1  }
0xa: {  	[smem:$0x3FAD] =	sst s2  }
0xb: {  	[smem:$0x3FAE] =	sst s3  }
0xc: {  	[smem:$0x3FAF] =	sst s4  }
0xd: {  	[smem:$0x3FB0] =	sst s5  }
0xe: {  	[smem:$0x3FB1] =	sst s6  }
0xf: {  	[smem:$0x3FB2] =	sst s7  }
0x10: {  	[smem:$0x3FB3] =	sst s8  }
0x11: {  	[smem:$0x3FB4] =	sst s9;
	s0 =	simm.s32 @!p0 $0x0  }
0x12: {  	s1 =	sld [smem:$0x3F9A];
	s0 =	simm.s32 @p0 $0x1  }
0x13: {  	[smem:$0x3FB5] =	sst s0;
	s0 =	simm.s32 @!p1 $0x0  }
0x14: {  	s2 =	sld [smem:$0x3F99];
	s0 =	simm.s32 @p1 $0x1  }
0x15: {  	[smem:$0x3FB6] =	sst s0;
	s0 =	simm.s32 @!p2 $0x0  }
0x16: {  	s3 =	sld [smem:$0x3FDB];
	s0 =	simm.s32 @p2 $0x1  }
0x17: {  	s4 =	simm.s32 $0x1BF5;
	[smem:$0x3FB8] =	sst s0  }
0x18: {  	s0 =	sld [smem:$0x3F9B];
	_ =	swait.ge [sflag:s4], $0x0  }
0x19: {  	s7 =	sld [smem:$0x3F9C]  }
0x1a: {  	s8 =	sadd.s32 $0xFFFFE003, lr  }
0x1b: {  	s9 =	sadd.s32 $0xFFFFFEF7, lr;
	s5 =	simm.s32 $0xFFFFFFFF;
	p2 =	slt.u32 s8, $0xFFFFF086  }
0x1c: {  	p1 =	slt.u32 s9, $0xF7A;
	s5 =	simm.s32 @!p2 $0x0  }
0x1d: {  	s5 =	simm.s32 @p1 $0x1;
	p0 =	seq.s32 s7, s2  }
0x1e: {  	s7 =	smul.u32 @!p0 $0xF7A, s2;
	p2 =	seq.s32 @!p0 s5, $0x0  }
0x1f: {  	s9 =	smul.u32 $0xF7A, s1;
	s8 =	simm.s32 @!p0 $0x1BF5;
	p2 =	por !p2, p0  }
0x20: {  	[sflag:s8] =	ssyncset.s32 @!p0 $0xFFFFF086;
	s6 =	sadd.s32 @!p0 s3, s7;
	s7 =	simm.s32 @!p0 $0x108  }
0x21: {  	s3 =	sadd.s32 s3, s9;
	s6 =	sadd.s32 @!p0 $0x88, s6;
	s7 =	simm.s32 @p2 $0x1082  }
0x22: {  	[simem:s7], [sflag:s8] =	dma.local @!p0 [hbm:s6], $0xF7A  }
0x23: {  	s9 =	sor.u32 $0xD0000000, s2;
	s6 =	simm.s32 $0x108;
	_ =	swait.ge @!p0 [sflag:s8], $0x0  }
0x24: {  	s3 =	sadd.s32 $0x88, s3;
	s6 =	simm.s32 @!p1 $0x1082;
	[sflag:s4] =	ssyncset.s32 $0xFFFFF086  }
0x25: {  	[simem:s6], [sflag:s4] =	dma.local [hbm:s3], $0xF7A  }
0x26: {  	[smem:$0x3F9C] =	sst s1;
	(tag) =	ssettag s2;
	_ =	strace s9  }
0x27: {  	s1 =	sld [smem:$0x3FAC]  }
0x28: {  	s2 =	sld [smem:$0x3FAD]  }
0x29: {  	s4 =	sld [smem:$0x3FAF]  }
0x2a: {  	p0 =	seq.s32 s5, $0x0;
	s5 =	sld [smem:$0x3FB0]  }
0x2b: {  	s6 =	sld [smem:$0x3FB1]  }
0x2c: {  	s7 =	sld [smem:$0x3FB2]  }
0x2d: {  	s3 =	simm.s32 $0x108;
	s8 =	sld [smem:$0x3FB3]  }
0x2e: {  	s3 =	simm.s32 @!p0 $0x1082;
	s9 =	sld [smem:$0x3FB4]  }
0x2f: {  	lr =	sadd.s32 s0, s3;
	s0 =	sld [smem:$0x3FAB]  }
0x30: {  	s3 =	sld [smem:$0x3FAE]  }
0x31: {  	[smem:$0x3FB7] =	sst s10  }
0x32: {  	s10 =	sld [smem:$0x3FB5];
	_ =	sdelay $0x3  }
0x33: {  	p0 =	seq.s32 s10, $0x1;
	s10 =	sld [smem:$0x3FB7];
	_ =	sdelay $0x3  }
0x34: {  	[smem:$0x3FB7] =	sst s10  }
0x35: {  	s10 =	sld [smem:$0x3FB6];
	_ =	sdelay $0x3  }
0x36: {  	p1 =	seq.s32 s10, $0x1;
	s10 =	sld [smem:$0x3FB7];
	_ =	sdelay $0x3  }
0x37: {  	[smem:$0x3FB7] =	sst s10  }
0x38: {  	s10 =	sld [smem:$0x3FB8]  }
0x39: {  	_ = 	snop;
	(pc) =	sbr.ind lr, $3  }
0x3a: {  	_ = 	snop  }
0x3b: {  	_ = 	snop  }
0x3c: {  	p2 =	seq.s32 s10, $0x1;
	s10 =	sld [smem:$0x3FB7]  }
0x3d: {  	_ =	shalt  }
0x3e: {  	_ =	shalt  }
0x3f: {  	_ =	shalt  }
0x40: {  	_ =	shalt  }
0x41: {  	_ =	shalt  }
0x42: {  	_ =	shalt  }
0x43: {  	_ =	shalt  }
0x44: {  	_ =	shalt  }
0x45: {  	_ =	shalt  }
0x46: {  	_ =	shalt  }
0x47: {  	_ =	shalt  }
0x48: {  	_ =	shalt  }
0x49: {  	_ =	shalt  }
0x4a: {  	_ =	shalt  }
0x4b: {  	_ =	shalt  }
0x4c: {  	_ =	shalt  }
0x4d: {  	_ =	shalt  }
0x4e: {  	_ =	shalt  }
0x4f: {  	_ =	shalt  }
0x50: {  	_ =	shalt  }
0x51: {  	_ =	shalt  }
0x52: {  	_ =	shalt  }
0x53: {  	_ =	shalt  }
0x54: {  	_ =	shalt  }
0x55: {  	_ =	shalt  }
0x56: {  	_ =	shalt  }
0x57: {  	_ =	shalt  }
0x58: {  	_ =	shalt  }
0x59: {  	_ =	shalt  }
0x5a: {  	_ =	shalt  }
0x5b: {  	_ =	shalt  }
0x5c: {  	_ =	shalt  }
0x5d: {  	_ =	shalt  }
0x5e: {  	_ =	shalt  }
0x5f: {  	_ =	shalt  }
0x60: {  	_ =	shalt  }
0x61: {  	_ =	shalt  }
0x62: {  	_ =	shalt  }
0x63: {  	_ =	shalt  }
0x64: {  	_ =	shalt  }
0x65: {  	_ =	shalt  }
0x66: {  	_ =	shalt  }
0x67: {  	_ =	shalt  }
0x68: {  	_ =	shalt  }
0x69: {  	_ =	shalt  }
0x6a: {  	_ =	shalt  }
0x6b: {  	_ =	shalt  }
0x6c: {  	_ =	shalt  }
0x6d: {  	_ =	shalt  }
0x6e: {  	_ =	shalt  }
0x6f: {  	_ =	shalt  }
0x70: {  	_ =	shalt  }
0x71: {  	_ =	shalt  }
0x72: {  	_ =	shalt  }
0x73: {  	_ =	shalt  }
0x74: {  	_ =	shalt  }
0x75: {  	_ =	shalt  }
0x76: {  	_ =	shalt  }
0x77: {  	_ =	shalt  }
0x78: {  	_ =	shalt  }
0x79: {  	_ =	shalt  }
0x7a: {  	_ =	shalt  }
0x7b: {  	_ =	shalt  }
0x7c: {  	_ =	shalt  }
0x7d: {  	_ =	shalt  }
0x7e: {  	_ =	shalt  }
0x7f: {  	_ =	shalt  }
0x80: {  	_ =	shalt  }
0x81: {  	_ =	shalt  }
0x82: {  	_ =	shalt  }
0x83: {  	_ =	shalt  }
0x84: {  	_ =	shalt  }
0x85: {  	_ =	shalt  }
0x86: {  	_ =	shalt  }
0x87: {  	_ =	shalt  }
.Lfunc_end0:
.L_simem_size_0:
called_computation.1_lowered:
.L_overlay_start_0:
0x88: {  	s2 =	sld [smem:$0x3FD9]  }
0x89: {  	s3 =	sld [smem:$0x3FFE];
	_ =	sdelay $0x1  }
0x8a: {  	s1 =	srdreg.scid  }
0x8b: {  	s0 =	sand.u32 $0x1, s1  }
0x8c: {  	s17 =	sshll.u32 s0, $0xA;
	s2 =	sadd.s32 s3, s2  }
0x8d: {  	s2 =	sadd.s32 s2, s17  }
0x8e: {  	[smem:$0x3FC3] =	sst s2  }
0x8f: {  	_ = 	snop  }
0x90: {  	s2 =	sld [smem:$0x3FD0];
	(tm) =	ssettm $0x1  }
0x91: {  	s18 =	sld [smem:$0x3FFB];
	_ =	sdelay $0x3  }
0x92: {  	_ =	strace s18  }
0x93: {  	s3 =	sld [smem:$0x3FFC];
	_ =	sdelay $0x3  }
0x94: {  	_ =	strace s3  }
0x95: {  	s3 =	sld [smem:$0x3FFD];
	_ =	sdelay $0x3  }
0x96: {  	_ =	strace s3  }
0x97: {  	_ =	strace $0x8FFFFFFF  }
0x98: {  	s19 =	sld [smem:$0x3FDB];
	_ =	sdelay $0x1  }
0x99: {  	s4 =	simm.s32 $_scs_section_size  }
0x9a: {  	s5 =	simm.s32 $_size__tile_overlayer_lowered;
	s6 =	simm.s32 $_tile_overlayer_lowered  }
0x9b: {  	s22 =	simm.s32 $0x1BFF;
	s21 =	sshll.u32 s6, $0x1;
	s3 =	sadd.s32 s4, s19  }
0x9c: {  	s7 =	simm.s32 $0x0;
	s20 =	sshll.u32 s5, $0x1;
	s5 =	sadd.s32 s21, s3  }
0x9d: {  	[timem:s7], [sflag:s22] =	dma.local [hbm:s5], s20  }
0x9e: {  	_ =	swait.ge [sflag:s22], s20  }
0x9f: {  	s4 =	ssub.s32 $0x0, s20;
	[sflag:s22] =	ssyncset.done $0x0  }
0xa0: {  	[sflag:s22] =	ssyncadd.s32 s4;
	_ =	sdelay $0x1  }
0xa1: {  	s23 =	simm.s32 $0x1B8B  }
0xa2: {  	_ =	swait.ge [sflag:s23], $0x1  }
0xa3: {  	[sflag:s23] =	ssyncset.done $0x0  }
0xa4: {  	s25 =	simm.s32 $0x1B8E;
	s24 =	sld [smem:$0x3FFE];
	[sflag:s23] =	ssyncadd.s32 $0xFFFFFFFF  }
0xa5: {  	s26 =	simm.s32 $execute0_lowered;
	[smem:$0x3FD2] =	sst s25  }
0xa6: {  	s5 =	sshll.u32 s26, $0x1;
	_ =	strace $0x80000049;
	[dreg:$0x1] =	wrdreg $0xFFFFFFFF  }
0xa7: {  	s28 =	simm.s32 $_size_execute0_lowered;
	s3 =	sadd.s32 s3, s5;
	[dreg:$0x0] =	wrdreg $0x0  }
0xa8: {  	s5 =	sshll.u32 s28, $0x1;
	[dreg:$0x2] =	wrdreg s3  }
0xa9: {  	[dreg:$0x3] =	wrdreg s5  }
0xaa: {  	[dreg:$0x4] =	wrdreg $0xC0  }
0xab: {  	_ =	task [dreg:s7], $0x5FFFF  }
0xac: {  	[dreg:$0x1] =	wrdreg $0xFFFFFFFF  }
0xad: {  	[dreg:$0x0] =	wrdreg $0x60  }
0xae: {  	[dreg:$0x2] =	wrdreg s2  }
0xaf: {  	[dreg:$0x3] =	wrdreg s24  }
0xb0: {  	[dreg:$0x4] =	wrdreg $0xB7800  }
0xb1: {  	[dreg:$0x5] =	wrdreg $0x9  }
0xb2: {  	_ =	task.clear_ibuf [dreg:s7], $0x6FFFF;
	_ =	strace $0x90000049  }
0xb3: {  	s29 =	simm.s32 $0x9;
	_ =	strace $0x8000004B  }
0xb4: {  	_ =	swait.ge [sflag:s29], $0x1  }
0xb5: {  	[sflag:s29] =	ssyncadd.s32 $0xFFFFFFFF  }
0xb6: {  	_ =	strace $0x9000004B  }
0xb7: {  	_ =	sfence  }
0xb8: {  	s30 =	sld [smem:$0x0];
	_ =	sdelay $0x2  }
0xb9: {  	s31 =	sshll.u32 s1, $0xD;
	s1 =	sshrl.u32 s1, $0x2  }
0xba: {  	s3 =	sand.u32 $0x4000, s31;
	s1 =	sadd.s32 s1, s30  }
0xbb: {  	s0 =	sor.u32 s3, s0;
	s1 =	sshll.u32 s1, $0x11  }
0xbc: {  	s0 =	sor.u32 s1, s0  }
0xbd: {  	s0 =	sadd.s32 $0x8F2B, s0  }
0xbe: {  	[sflag:s0] =	ssyncadd.remote.s32 $0x1  }
0xbf: {  	_ =	sfence.sel $0xFFFF  }
0xc0: {  	[dreg:$0x0] =	wrdreg $0xFFFFFFFF;
	(pc) =	sbr.abs _section_cstart, $3  }
0xc1: {  	[dreg:$0x1] =	wrdreg $0xFFFFFFFF  }
0xc2: {  	_ =	task.clear_ibuf [dreg:s7], $0x2FFFF;
	_ =	strace $0x9FFFFFFF  }
0xc3: {  	(tm) =	ssettm $0x7FFFFFFF  }
tec
execute0_lowered:
.L_overlay_start_1:
0x0: {  	(tag) =	ssettag $0x1  }
0x1: {  	s2 =	rddreg [dreg:$0x0]  }
0x2: {  	s0 =	rddreg [dreg:$0x1]  }
0x3: {  	s3 =	rddreg [dreg:$0x2]  }
0x4: {  	s1 =	stileid.u32;
	s4 =	simm.s32 $0x0;
	s6 =	srdreg.scid  }
0x5: {  	s17 =	simm.s32 $0x400;
	s18 =	simm.s32 $0x3;
	s19 =	simm.s32 $0x2780  }
0x6: {  	s28 =	simm.s32 $0x2;
	s29 =	simm.s32 $0x0;
	s5 =	sshrl.u32 s1, $0x3  }
0x7: {  	s7 =	sshll.u32 s1, $0x7;
	s9 =	sand.u32 $0x1, s6;
	s8 =	smul.u32 $0x13C00, s1  }
0x8: {  	[smem:$0x7FF] =	sst s4;
	s10 =	sshll.u32 s1, $0xB;
	s12 =	smul.u32 $0x4F000, s1  }
0x9: {  	s13 =	smul.u32 $0x2780, s1;
	s20 =	sadd.s32 $0x128400, s3;
	s31 =	sadd.s32 $0x25080, s2  }
0xa: {  	s21 =	sadd.s32 $0x138800, s3;
	p1 =	seq.s32 s1, $0xF;
	s5 =	smul.u32 $0x13C00, s5  }
0xb: {  	s22 =	sand.u32 $0x380, s7;
	s23 =	smul.u32 $0x13C000, s9;
	_ =	strace $0x8000004A  }
0xc: {  	s10 =	sadd.s32 s10, s0;
	s24 =	ssub.s32 $0x2, s9;
	p0 =	seq.s32 s9, $0x1  }
0xd: {  	[dreg:$0x5] =	wrdreg s31;
	s20 =	sshrl.u32 @p1 s20, $0x3;
	s21 =	sshrl.u32 @p1 s21, $0x3  }
0xe: {  	s25 =	sshrl.u32 s24, $0x1;
	s26 =	sshrl.u32 s12, $0x2;
	s30 =	sadd.s32 s2, s13  }
0xf: {  	s6 =	sor.u32 s22, s5;
	s5 =	sadd.s32 $0x18000, s0;
	s7 =	sadd.s32 s8, s23  }
0x10: {  	s15 =	ssub.s32 s24, s25;
	s8 =	sadd.s32 $0xB000, s10;
	s9 =	sadd.s32 s26, s3  }
0x11: {  	[dreg:$0x4] =	wrdreg s30;
	s24 =	simm.s32 $0x50;
	s25 =	simm.s32 $0x6780  }
.Ltmp0:
0x12: {  	s26 =	simm.s32 $0x8F80;
	s6 =	sshrl.u32 s6, $0x3;
	(pc) =	sbr.rel .LBB2_1-.Ltmp0, $4  }
0x13: {  	s7 =	sshrl.u32 s7, $0x3;
	s12 =	sadd.s32 s5, s13;
	s13 =	sadd.s32 $0x3D080, s0  }
0x14: {  	s15 =	smax.u32 s15, $0x1;
	s23 =	sshrl.u32 @!p1 s9, $0x3;
	s11 =	sadd.s32 s6, s0  }
0x15: {  	s6 =	sadd.s32 $0xC00, s0;
	s14 =	sadd.s32 s7, s0;
	s0 =	sshll.u32 @!p1 s1, $0x6  }
0x16: {  	s7 =	sadd.s32 $0x13000, s11;
	s14 =	sadd.s32 $0x3F200, s14;
	s22 =	sor.u32 @!p1 $0x1C03, s0  }
.LBB2_10:
0x17: {  	s29 =	sadd.s32 $0x1, s29  }
0x18: {  	s0 =	sshll.u32 s1, $0x6;
	[bflag:$0x0] =	sbarrier.arrive $0xFFFF;
	p2 =	sne.s32 s29, s15  }
.Ltmp1:
0x19: {  	s10 =	sshrl.u32 s9, $0x3;
	s0 =	sor.u32 $0x1C03, s0;
	(pc) =	sbr.rel @!p2 .LBB2_11-.Ltmp1, $4  }
0x1a: {  	[hbm:s14], [sflag:s0] =	dma.local [spmem:s10], $0x2780  }
0x1b: {  	_ =	swait.ge [sflag:s18], $0x2780  }
0x1c: {  	[sflag:s18] =	ssyncset.done $0x0  }
0x1d: {  	[sflag:s18] =	ssyncadd.s32 $0xFFFFD880  }
.LBB2_1:
0x1e: {  	s0 =	simm.s32 $0x80  }
0x1f: {  	[tilespmem:s4], [sflag:$0x3] =	stream.strided.gather [hbm4b:s7+s0], $0x2780, s17, s0, $0x38;
	[tilespmem:$0x1F380] =	vst v63  }
0x20: {  	_ =	swait.ge [sflag:s18], $0x2780  }
0x21: {  	[sflag:s18] =	ssyncset.done $0x0  }
.Ltmp2:
0x22: {  	[sflag:s18] =	ssyncadd.s32 $0xFFFFD880;
	(pc) =	sbr.rel @!p0 .LBB2_2-.Ltmp2, $4  }
0x23: {  	[tilespmem:s19], [sflag:$0x3] =	stream.linear.gather [hbm4b:s8+s4], $0x3E80, $0x38;
	[tilespmem:$0x1F380] =	vst v63  }
0x24: {  	_ =	swait.ge [sflag:s18], $0x3E80  }
0x25: {  	[sflag:s18] =	ssyncset.done $0x0  }
0x26: {  	[sflag:s18] =	ssyncadd.s32 $0xFFFFC180  }
0x27: {  	s0 =	simm.s32 @p1 $0x1FC3;
	s10 =	simm.s32 @p1 $0x3  }
0x28: {  	[spmem:s20], [sflag:s0] =	dma.local @p1 [hbm:s13], $0x2080  }
0x29: {  	_ =	swait.ge @p1 [sflag:s10], $0x2080  }
0x2a: {  	[sflag:s10] =	ssyncset.done @p1 $0x0  }
0x2b: {  	[sflag:s10] =	ssyncadd.s32 @p1 $0xFFFFDF80  }
0x2c: {  	[spmem:s21], [sflag:s0] =	dma.local @p1 [hbm:s6], $0x700  }
0x2d: {  	_ =	swait.ge @p1 [sflag:s10], $0x700  }
0x2e: {  	[sflag:s10] =	ssyncset.done @p1 $0x0  }
0x2f: {  	s0 =	simm.s32 @!p1 $0x3;
	[sflag:s10] =	ssyncadd.s32 @p1 $0xFFFFF900  }
0x30: {  	[spmem:s23], [sflag:s22] =	dma.local @!p1 [hbm:s12], $0x2780  }
0x31: {  	_ =	swait.ge @!p1 [sflag:s0], $0x2780  }
0x32: {  	[sflag:s0] =	ssyncset.done @!p1 $0x0  }
.Ltmp3:
0x33: {  	[sflag:s0] =	ssyncadd.s32 @!p1 $0xFFFFD880;
	(pc) =	sbr.rel .LBB2_7-.Ltmp3, $4  }
0x34: {  	s30 =	simm.s32 $0x0;
	[bflag:$0x0] =	sbarrier.arrive $0xFFFF  }
0x35: {  	[tilespmem:s25], [sflag:$0x1] =	stream.indirect.gather [hbm4b:s5+s24], $0x80, s30, s24, $0xb8;
	[tilespmem:$0x1F380] =	vst v63  }
0x36: {  	s31 =	simm.s32 $0xA0;
	s0 =	simm.s32 $0x2780  }
0x37: {  	[tilespmem:s26], [sflag:$0x2] =	stream.indirect.gather [hbm4b:s5+s24], $0x80, s24, s24, $0xb8;
	[tilespmem:$0x1F380] =	vst v63  }
.LBB2_9:
0x38: {  	s30 =	sadd.s32 $0x1, s30  }
0x39: {  	p2 =	sne.s32 s30, $0x7D  }
.Ltmp4:
0x3a: {  	_ = 	snop;
	(pc) =	sbr.rel @!p2 .LBB2_10-.Ltmp4, $2  }
0x3b: {  	_ =	sdelay $0x2  }
0x3c: {  	s31 =	sadd.s32 $0x50, s31;
	s0 =	sadd.s32 $0x80, s0  }
.LBB2_7:
0x3d: {  	s10 =	sand.u32 $0x1, s30  }
0x3e: {  	p2 =	seq.s32 s10, $0x1  }
0x3f: {  	s11 =	simm.s32 @!p2 $0x1  }
0x40: {  	_ =	swait.ge @!p2 [sflag:s11], $0x2800  }
0x41: {  	[sflag:s11] =	ssyncset.done @!p2 $0x0  }
0x42: {  	s16 =	simm.s32 @!p2 $0x6780;
	[sflag:s11] =	ssyncadd.s32 @!p2 $0xFFFFD800;
	s11 =	simm.s32 @!p2 $0x50  }
0x43: {  	[spmem:s3] =	stream.indirect.scatter.add.f32 @!p2 [tilespmem:s16], [sflag:$0x3], $0x80, s0, s11, $0xb8;
	[tilespmem:$0x1F380] =	vst v63  }
0x44: {  	s11 =	simm.s32 @!p2 $0x3  }
0x45: {  	p3 =	sgt.u32 @!p2 s30, $0x7A;
	_ =	swait.ge @!p2 [sflag:s11], $0x2800  }
0x46: {  	p3 =	por p3, p2;
	[sflag:s11] =	ssyncset.done @!p2 $0x0  }
0x47: {  	s16 =	simm.s32 @!p3 $0x6780;
	[sflag:s11] =	ssyncadd.s32 @!p2 $0xFFFFD800;
	s11 =	simm.s32 @!p3 $0x50  }
0x48: {  	[tilespmem:s16], [sflag:$0x1] =	stream.indirect.gather @!p3 [hbm4b:s5+s11], $0x80, s31, s11, $0xb8;
	[tilespmem:$0x1F380] =	vst v63  }
0x49: {  	p3 =	seq.s32 @!p2 s10, $0x0  }
0x4a: {  	p2 =	por p2, !p3  }
.Ltmp5:
0x4b: {  	_ = 	snop;
	(pc) =	sbr.rel @!p2 .LBB2_9-.Ltmp5, $1  }
0x4c: {  	_ =	sdelay $0x3  }
0x4d: {  	_ =	swait.ge [sflag:s28], $0x2800  }
0x4e: {  	[sflag:s28] =	ssyncset.done $0x0  }
0x4f: {  	[sflag:s28] =	ssyncadd.s32 $0xFFFFD800  }
0x50: {  	[spmem:s3] =	stream.indirect.scatter.add.f32 [tilespmem:s26], [sflag:$0x3], $0x80, s0, s24, $0xb8;
	[tilespmem:$0x1F380] =	vst v63  }
.Ltmp6:
0x51: {  	_ = 	snop;
	(pc) =	sbr.rel .LBB2_9-.Ltmp6, $4  }
0x52: {  	_ =	swait.ge [sflag:s18], $0x2800  }
0x53: {  	p2 =	sgt.u32 s30, $0x7A;
	[sflag:s18] =	ssyncset.done $0x0  }
0x54: {  	s10 =	simm.s32 @!p2 $0x50;
	s11 =	simm.s32 @!p2 $0x8F80;
	[sflag:s18] =	ssyncadd.s32 $0xFFFFD800  }
0x55: {  	[tilespmem:s11], [sflag:$0x2] =	stream.indirect.gather @!p2 [hbm4b:s5+s10], $0x80, s31, s10, $0xb8;
	[tilespmem:$0x1F380] =	vst v63  }
.LBB2_2:
0x56: {  	s0 =	simm.s32 @p1 $0x1FC3;
	s10 =	rddreg [dreg:$0x5];
	s30 =	simm.s32 @p1 $0x3  }
0x57: {  	[spmem:s20], [sflag:s0] =	dma.local @p1 [hbm:s10], $0x2080  }
0x58: {  	_ =	swait.ge @p1 [sflag:s30], $0x2080  }
0x59: {  	[sflag:s30] =	ssyncset.done @p1 $0x0  }
0x5a: {  	[sflag:s30] =	ssyncadd.s32 @p1 $0xFFFFDF80  }
0x5b: {  	[spmem:s21], [sflag:s0] =	dma.local @p1 [hbm:s6], $0x700  }
0x5c: {  	_ =	swait.ge @p1 [sflag:s30], $0x700  }
0x5d: {  	[sflag:s30] =	ssyncset.done @p1 $0x0  }
0x5e: {  	s0 =	rddreg [dreg:$0x4];
	[sflag:s30] =	ssyncadd.s32 @p1 $0xFFFFF900  }
0x5f: {  	[spmem:s23], [sflag:s22] =	dma.local @!p1 [hbm:s0], $0x2780  }
0x60: {  	s0 =	simm.s32 @!p1 $0x3  }
0x61: {  	_ =	swait.ge @!p1 [sflag:s0], $0x2780  }
0x62: {  	[sflag:s0] =	ssyncset.done @!p1 $0x0  }
.Ltmp7:
0x63: {  	[sflag:s0] =	ssyncadd.s32 @!p1 $0xFFFFD880;
	(pc) =	sbr.rel .LBB2_3-.Ltmp7, $4  }
0x64: {  	s30 =	simm.s32 $0x0;
	[bflag:$0x0] =	sbarrier.arrive $0xFFFF  }
0x65: {  	[tilespmem:s25], [sflag:$0x1] =	stream.indirect.gather [hbm4b:s2+s24], $0x80, s30, s24, $0xb8;
	[tilespmem:$0x1F380] =	vst v63  }
0x66: {  	s31 =	simm.s32 $0xA0;
	s0 =	simm.s32 $0x2780  }
0x67: {  	[tilespmem:s26], [sflag:$0x2] =	stream.indirect.gather [hbm4b:s2+s24], $0x80, s24, s24, $0xb8;
	[tilespmem:$0x1F380] =	vst v63  }
.LBB2_5:
0x68: {  	s30 =	sadd.s32 $0x1, s30  }
0x69: {  	p2 =	seq.s32 s30, $0x7D  }
.Ltmp8:
0x6a: {  	_ = 	snop;
	(pc) =	sbr.rel @p2 .LBB2_10-.Ltmp8, $2  }
0x6b: {  	_ =	sdelay $0x2  }
0x6c: {  	s31 =	sadd.s32 $0x50, s31;
	s0 =	sadd.s32 $0x80, s0  }
.LBB2_3:
0x6d: {  	s10 =	sand.u32 $0x1, s30  }
0x6e: {  	p2 =	seq.s32 s10, $0x1  }
0x6f: {  	s11 =	simm.s32 @!p2 $0x1  }
0x70: {  	_ =	swait.ge @!p2 [sflag:s11], $0x2800  }
0x71: {  	[sflag:s11] =	ssyncset.done @!p2 $0x0  }
0x72: {  	s16 =	simm.s32 @!p2 $0x6780;
	[sflag:s11] =	ssyncadd.s32 @!p2 $0xFFFFD800;
	s11 =	simm.s32 @!p2 $0x50  }
0x73: {  	[spmem:s3] =	stream.indirect.scatter.add.f32 @!p2 [tilespmem:s16], [sflag:$0x3], $0x80, s0, s11, $0xb8;
	[tilespmem:$0x1F380] =	vst v63  }
0x74: {  	s11 =	simm.s32 @!p2 $0x3  }
0x75: {  	p3 =	sgt.u32 @!p2 s30, $0x7A;
	_ =	swait.ge @!p2 [sflag:s11], $0x2800  }
0x76: {  	p3 =	por p3, p2;
	[sflag:s11] =	ssyncset.done @!p2 $0x0  }
0x77: {  	s16 =	simm.s32 @!p3 $0x6780;
	[sflag:s11] =	ssyncadd.s32 @!p2 $0xFFFFD800;
	s11 =	simm.s32 @!p3 $0x50  }
0x78: {  	[tilespmem:s16], [sflag:$0x1] =	stream.indirect.gather @!p3 [hbm4b:s2+s11], $0x80, s31, s11, $0xb8;
	[tilespmem:$0x1F380] =	vst v63  }
0x79: {  	p3 =	seq.s32 @!p2 s10, $0x0  }
0x7a: {  	p2 =	por p2, !p3  }
.Ltmp9:
0x7b: {  	_ = 	snop;
	(pc) =	sbr.rel @!p2 .LBB2_5-.Ltmp9, $1  }
0x7c: {  	_ =	sdelay $0x3  }
0x7d: {  	_ =	swait.ge [sflag:s28], $0x2800  }
0x7e: {  	[sflag:s28] =	ssyncset.done $0x0  }
0x7f: {  	[sflag:s28] =	ssyncadd.s32 $0xFFFFD800  }
0x80: {  	[spmem:s3] =	stream.indirect.scatter.add.f32 [tilespmem:s26], [sflag:$0x3], $0x80, s0, s24, $0xb8;
	[tilespmem:$0x1F380] =	vst v63  }
.Ltmp10:
0x81: {  	_ = 	snop;
	(pc) =	sbr.rel .LBB2_5-.Ltmp10, $4  }
0x82: {  	_ =	swait.ge [sflag:s18], $0x2800  }
0x83: {  	p2 =	sgt.u32 s30, $0x7A;
	[sflag:s18] =	ssyncset.done $0x0  }
0x84: {  	s10 =	simm.s32 @!p2 $0x50;
	s11 =	simm.s32 @!p2 $0x8F80;
	[sflag:s18] =	ssyncadd.s32 $0xFFFFD800  }
0x85: {  	[tilespmem:s11], [sflag:$0x2] =	stream.indirect.gather @!p2 [hbm4b:s2+s10], $0x80, s31, s10, $0xb8;
	[tilespmem:$0x1F380] =	vst v63  }
.LBB2_11:
0x86: {  	_ =	sfence.sel $0x180000  }
0x87: {  	[bflag:$0x0] =	sbarrier.arrive $0xFFFF  }
0x88: {  	_ =	strace $0x9000004A  }
0x89: {  	[bflag:$0x2] =	sbarrier.arrive $0xFFFF  }
0x8a: {  	p0 =	sne.s32 s1, $0x0;
	s0 =	rddreg [dreg:$0x3]  }
0x8b: {  	s0 =	sadd.s32 @!p0 $0x100000, s0  }
0x8c: {  	[sflag:s0] =	ssyncadd.tile.s32 @!p0 $0x1;
	_ =	shalt  }
.Lfunc_end2:
_tile_overlayer_lowered:
.L_overlay_start_2:
0x8d: {  	(tag) =	ssettag $0x2  }
0x8e: {  	s0 =	rddreg [dreg:$0x0];
	s2 =	stileid.u32  }
0x8f: {  	s1 =	rddreg [dreg:$0x1];
	p0 =	sne.s32 s2, $0x0  }
0x90: {  	s3 =	rddreg [dreg:$0x2];
	[bflag:$0x3] =	sbarrier.arrive $0xFFFF;
	s2 =	simm.s32 @!p0 $0x1C03  }
0x91: {  	[timem:s3], [sflag:s2] =	dma.local @!p0 [hbm:s0], s1  }
0x92: {  	s0 =	simm.s32 @!p0 $0x3  }
0x93: {  	_ =	swait.ge @!p0 [sflag:s0], s1  }
0x94: {  	s1 =	ssub.s32 @!p0 $0x0, s1;
	[sflag:s0] =	ssyncset.done @!p0 $0x0  }
0x95: {  	[sflag:s0] =	ssyncadd.s32 @!p0 s1  }
0x96: {  	[bflag:$0x3] =	sbarrier.arrive $0xFFFF  }
0x97: {  	_ =	shalt  }

</sc_bundles>
